<compile_context>
chip_gen: v7x
topology: tpu7x:2x2x1
jax: 0.10.2.dev20260603
libtpu: 0.0.44.dev20260713+nightly
codegen_flags: <defaults>
</compile_context>

<pallas_src>
import struct

import jax
import jax.numpy as jnp
from jax import lax
from jax.experimental import pallas as pl
from jax.experimental.pallas import tpu as pltpu
from jax.experimental.pallas import tpu_sc as plsc

N_TOK = 16384
N_FEAT = 64
N_EXPERTS = 16
N_SEL = 4
N_BINS = 5

_NC = 2
_NS = 16
_NW = _NC * _NS
_CHUNK = N_TOK // _NW
_SPAN = 2 * _CHUNK


def _fbits(i):
    return struct.unpack('<f', struct.pack('<I', i))[0]


_ERF_T = [_fbits(0xBF57747E), _fbits(0xBE81B6B6),
          _fbits(0x3E81B6B6), _fbits(0x3F57747F)]
_CLAMP_T = [_fbits(0x3E4CCCCD), _fbits(0x3ECCCCCD),
            _fbits(0x3F19999A), _fbits(0x3F4CCCCD)]
_BC = [_fbits(0x3DCCCCCD), _fbits(0x3E99999A), _fbits(0x3F000000),
       _fbits(0x3F333333), _fbits(0x3F666667)]


def _sc_router_body(feat, maskf, bias, idxf,
                    w_out, l_out,
                    fbuf, wbuf, lbuf, mbuf, bbuf, ibuf, colbuf, pbuf, gbuf,
                    shared):
    c = lax.axis_index("c")
    s = lax.axis_index("s")
    wid = s * _NC + c
    base = wid * _CHUNK

    pltpu.sync_copy(feat.at[pl.ds(s * _SPAN, _SPAN)], fbuf)
    pltpu.sync_copy(maskf, mbuf)
    pltpu.sync_copy(bias, bbuf)
    pltpu.sync_copy(idxf, ibuf)

    lanes = lax.iota(jnp.int32, 16)
    four = jnp.full((16,), 4, jnp.int32)
    m_cols = [plsc.load_gather(mbuf, [lanes * four + k]) for k in range(4)]
    i_cols = [plsc.load_gather(ibuf, [lanes * four + k]) for k in range(4)]
    bias_v = bbuf[...]
    cnt = jnp.maximum((m_cols[0] + m_cols[2]) + (m_cols[1] + m_cols[3]),
                      jnp.full((16,), jnp.float32(1.0)))
    one_v = jnp.full((16,), jnp.float32(1.0))
    zero_v = jnp.full((16,), jnp.float32(0.0))
    neg_big = jnp.full((16,), jnp.float32(-3.0e38))
    big = jnp.full((16,), jnp.float32(3.4028235e38))
    nbig = -big

    for k in range(4):
        colbuf[pl.ds(16 * k, 16)] = zero_v
    for k in range(4):
        plsc.store_scatter(colbuf, [i_cols[k]], one_v)
    cm = [colbuf[pl.ds(16 * k, 16)] > zero_v for k in range(4)]

    @plsc.parallel_loop(0, _SPAN, 1, unroll=2,
                        carry=(big, big, big, big, nbig, nbig, nbig, nbig))
    def acc(t, mm):
        mn0, mn1, mn2, mn3, mx0, mx1, mx2, mx3 = mm
        x0 = fbuf[t, pl.ds(0, 16)]
        x1 = fbuf[t, pl.ds(16, 16)]
        x2 = fbuf[t, pl.ds(32, 16)]
        x3 = fbuf[t, pl.ds(48, 16)]
        mn0 = jnp.minimum(mn0, jnp.where(cm[0], x0, big))
        mn1 = jnp.minimum(mn1, jnp.where(cm[1], x1, big))
        mn2 = jnp.minimum(mn2, jnp.where(cm[2], x2, big))
        mn3 = jnp.minimum(mn3, jnp.where(cm[3], x3, big))
        mx0 = jnp.maximum(mx0, jnp.where(cm[0], x0, nbig))
        mx1 = jnp.maximum(mx1, jnp.where(cm[1], x1, nbig))
        mx2 = jnp.maximum(mx2, jnp.where(cm[2], x2, nbig))
        mx3 = jnp.maximum(mx3, jnp.where(cm[3], x3, nbig))
        return (mn0, mn1, mn2, mn3, mx0, mx1, mx2, mx3)

    mn0, mn1, mn2, mn3, mx0, mx1, mx2, mx3 = acc
    mnv = jnp.minimum(jnp.minimum(mn0, mn1), jnp.minimum(mn2, mn3))
    mxv = jnp.maximum(jnp.maximum(mx0, mx1), jnp.maximum(mx2, mx3))
    pbuf[pl.ds(0, 16)] = mnv
    pbuf[pl.ds(16, 16)] = mxv
    pltpu.sync_copy(pbuf, shared.at[pl.ds(s * 32, 32)])
    plsc.subcore_barrier()
    pltpu.sync_copy(shared, gbuf)
    am = gbuf[pl.ds(0, 16)]
    ax = gbuf[pl.ds(16, 16)]
    for i in range(1, 16):
        am = jnp.minimum(am, gbuf[pl.ds(i * 32, 16)])
        ax = jnp.maximum(ax, gbuf[pl.ds(i * 32 + 16, 16)])
    lo = jnp.min(am)
    hi = jnp.max(ax)
    already_ratio = jnp.logical_and(lo >= -1e-06, hi <= 1.0 + 1e-06)
    flagv = jnp.full((16,), already_ratio)
    thr_v = [jnp.where(flagv,
                       jnp.full((16,), jnp.float32(ct)),
                       jnp.full((16,), jnp.float32(et)))
             for ct, et in zip(_CLAMP_T, _ERF_T)]
    bc_v = [jnp.full((16,), jnp.float32(v)) for v in _BC]

    row0 = c * _CHUNK

    @plsc.parallel_loop(0, _CHUNK, 1, unroll=4)
    def body(t):
        row = jnp.full((16,), row0 + t, jnp.int32)
        p = []
        for k in range(4):
            g = plsc.load_gather(fbuf, [row, i_cols[k]])
            bc = bc_v[0]
            bc = jnp.where(g >= thr_v[0], bc_v[1], bc)
            bc = jnp.where(g >= thr_v[1], bc_v[2], bc)
            bc = jnp.where(g >= thr_v[2], bc_v[3], bc)
            bc = jnp.where(g >= thr_v[3], bc_v[4], bc)
            p.append(bc * m_cols[k])
        ssum = (p[0] + p[2]) + (p[1] + p[3])
        logits = ssum / cnt + bias_v
        m1 = jnp.max(logits)
        oh1 = lanes == plsc.all_reduce_ffs(logits == m1)
        l2 = jnp.where(oh1, neg_big, logits)
        m2 = jnp.max(l2)
        oh2 = lanes == plsc.all_reduce_ffs(l2 == m2)
        u = jnp.exp(jnp.full((16,), m2 - m1))
        den = one_v + u
        w1 = one_v / den
        w2 = u / den
        wv = jnp.where(oh1, w1, jnp.where(oh2, w2, zero_v))
        lbuf[t, :] = logits
        wbuf[t, :] = wv

    pltpu.sync_copy(wbuf, w_out.at[pl.ds(base, _CHUNK)])
    pltpu.sync_copy(lbuf, l_out.at[pl.ds(base, _CHUNK)])


def _make_sc_router():
    return pl.kernel(
        _sc_router_body,
        out_type=[
            jax.ShapeDtypeStruct((N_TOK, N_EXPERTS), jnp.float32),
            jax.ShapeDtypeStruct((N_TOK, N_EXPERTS), jnp.float32),
        ],
        mesh=plsc.VectorSubcoreMesh(
            core_axis_name="c", subcore_axis_name="s",
            num_cores=_NC, num_subcores=_NS),
        scratch_types=[
            pltpu.VMEM((_SPAN, N_FEAT), jnp.float32),
            pltpu.VMEM((_CHUNK, N_EXPERTS), jnp.float32),
            pltpu.VMEM((_CHUNK, N_EXPERTS), jnp.float32),
            pltpu.VMEM((N_EXPERTS * N_SEL,), jnp.float32),
            pltpu.VMEM((N_EXPERTS,), jnp.float32),
            pltpu.VMEM((N_EXPERTS * N_SEL,), jnp.int32),
            pltpu.VMEM((N_FEAT,), jnp.float32),
            pltpu.VMEM((32,), jnp.float32),
            pltpu.VMEM((_NS * 32,), jnp.float32),
            pltpu.VMEM_SHARED((_NS * 32,), jnp.float32),
        ],
        compiler_params=pltpu.CompilerParams(
            needs_layout_passes=False, use_tc_tiling_on_sc=False),
    )


def kernel(rule_features, selected_mask, expert_bias, selected_idx):
    weights, scaled_logits = _make_sc_router()(
        rule_features,
        selected_mask.reshape(-1).astype(jnp.float32),
        expert_bias.astype(jnp.float32),
        selected_idx.reshape(-1).astype(jnp.int32),
    )
    return (weights, scaled_logits)

# --- scband reference (transcript-rebuilt; emitter-appended) ---
"""Pipeline reference for scband-rule-soft-router-24446953849150 (READ-ONLY COPY).

The authoritative reference and input builder live on the scoring server;
editing this copy changes nothing except your own understanding.
"""

import jax, jax.numpy as jnp
import numpy as np
import math

N_TOK = 16384
N_FEAT = 64
N_EXPERTS = 16
N_SEL = 4
N_BINS = 5
TOP_K = 2
TEMPERATURE = 1.0


def setup_inputs(seed: int = 0) -> dict:
    key = jax.random.key(seed)
    rule_features = jax.random.normal(jax.random.fold_in(key, 0), (N_TOK, N_FEAT), dtype=jnp.float32)
    selected_idx = jnp.arange(N_EXPERTS * N_SEL, dtype=jnp.int32).reshape(N_EXPERTS, N_SEL)
    selected_mask = jnp.ones((N_EXPERTS, N_SEL), dtype=jnp.float32)
    expert_bias = jnp.zeros((N_EXPERTS,), dtype=jnp.float32)
    return {
        "rule_features": rule_features,
        "selected_mask": selected_mask,
        "expert_bias": expert_bias,
        "selected_idx": selected_idx,
    }


def _to_ratio(x):
    x = x.astype(jnp.float32)
    finite = jnp.isfinite(x)
    lo = jnp.min(jnp.where(finite, x, jnp.inf))
    hi = jnp.max(jnp.where(finite, x, -jnp.inf))
    already_ratio = jnp.logical_and(lo >= -1e-06, hi <= 1.0 + 1e-06)
    ratio_clamp = jnp.clip(x, 0.0, 1.0)
    ratio_erf = jnp.clip(0.5 * (1.0 + jax.scipy.special.erf(x / math.sqrt(2.0))), 0.0, 1.0)
    ratio = jnp.where(already_ratio, ratio_clamp, ratio_erf)
    ratio = jnp.where(finite, ratio, 0.5)
    return ratio


def _compute_logits(rule_features, selected_mask, expert_bias, selected_idx):
    n_flat = rule_features.shape[0]
    idx_flat = selected_idx.reshape(-1)
    gathered = jnp.take(rule_features, idx_flat, axis=1).reshape(n_flat, N_EXPERTS, N_SEL)
    ratio = _to_ratio(gathered)
    bins = jnp.clip(jnp.floor(ratio * float(N_BINS)), 0.0, float(N_BINS - 1))
    bin_center = (bins + 0.5) / float(N_BINS)
    selected_count = jnp.maximum(jnp.sum(selected_mask, axis=-1), 1.0)
    mean_score = jnp.sum(bin_center * selected_mask[None, :, :], axis=-1) / selected_count[None, :]
    logits = mean_score + expert_bias[None, :]
    return logits


def _top_k_softmax(logits, k):
    topk_vals, topk_idx = jax.lax.top_k(logits, k)
    topk_weights = jax.nn.softmax(topk_vals, axis=-1)
    n = logits.shape[0]
    weights = jnp.zeros_like(logits).at[jnp.arange(n)[:, None], topk_idx].set(topk_weights)
    return weights


def reference(rule_features, selected_mask, expert_bias, selected_idx):
    logits = _compute_logits(rule_features, selected_mask, expert_bias, selected_idx)
    scale = max(float(TEMPERATURE), 1e-06)
    scaled_logits = logits / scale
    weights = _top_k_softmax(scaled_logits, TOP_K)
    return (weights, scaled_logits)

if __name__ == "__main__":
    import jax
    _d = setup_inputs()
    print(jax.jit(kernel)(*tuple(_d.values())))

</pallas_src>

<mosaic_0001>
#map = affine_map<(d0, d1) -> (0, 0)>
#map1 = affine_map<(d0, d1) -> (0)>
module attributes {stable_mosaic.version = 14 : i64} {
  func.func @_sc_router_body(%arg0: i32, %arg1: i32, %arg2: memref<16384x64xf32, #tpu.memory_space<hbm>>, %arg3: memref<64xf32, #tpu.memory_space<hbm>>, %arg4: memref<16xf32, #tpu.memory_space<hbm>>, %arg5: memref<64xi32, #tpu.memory_space<hbm>>, %arg6: memref<16384x16xf32, #tpu.memory_space<hbm>>, %arg7: memref<16384x16xf32, #tpu.memory_space<hbm>>, %arg8: memref<1024x64xf32, #tpu.memory_space<vmem>>, %arg9: memref<512x16xf32, #tpu.memory_space<vmem>>, %arg10: memref<512x16xf32, #tpu.memory_space<vmem>>, %arg11: memref<64xf32, #tpu.memory_space<vmem>>, %arg12: memref<16xf32, #tpu.memory_space<vmem>>, %arg13: memref<64xi32, #tpu.memory_space<vmem>>, %arg14: memref<64xf32, #tpu.memory_space<vmem>>, %arg15: memref<32xf32, #tpu.memory_space<vmem>>, %arg16: memref<512xf32, #tpu.memory_space<vmem>>, %arg17: memref<512xf32, #tpu.memory_space<vmem_shared>>) attributes {dimension_semantics = [#tpu.dimension_semantics<core_parallel>, #tpu.dimension_semantics<subcore_parallel>], iteration_bounds = array<i64: 2, 16>, scalar_prefetch = 0 : i64, scratch_operands = 10 : i64, tpu.core_type = #tpu.core_type<sc_vector_subcore>, window_params = [{transform_indices = #map}, {transform_indices = #map1}, {transform_indices = #map1}, {transform_indices = #map1}, {transform_indices = #map}, {transform_indices = #map}]} {
    %mul3A = arith.constant 2 : i32
    %mul3A_0 = arith.muli %arg1, %mul3A : i32
    %add3A = arith.addi %mul3A_0, %arg0 : i32
    %mul3A_1 = arith.constant 512 : i32
    %mul3A_2 = arith.muli %add3A, %mul3A_1 : i32
    %mul3A_3 = arith.constant 1024 : i32
    %mul3A_4 = arith.muli %arg1, %mul3A_3 : i32
    "tpu.region"() ({
      %run_scoped3A = tpu.sem_alloc : memref<!tpu.dma_semaphore, #tpu.memory_space<semaphore_mem>>
      %dma_start3A = arith.constant 0 : i32
      %dma_start3A_230 = tpu.memref_slice %arg2[%mul3A_4, %dma_start3A] : memref<16384x64xf32, #tpu.memory_space<hbm>> -> memref<1024x64xf32, #tpu.memory_space<hbm>>
      %dma_start3A_231 = arith.constant 0 : i32
      %dma_start3A_232 = tpu.memref_slice %arg2[%mul3A_4, %dma_start3A_231] : memref<16384x64xf32, #tpu.memory_space<hbm>> -> memref<1024x64xf32, #tpu.memory_space<hbm>>
      tpu.enqueue_dma source(%dma_start3A_232 : memref<1024x64xf32, #tpu.memory_space<hbm>>) target(%arg8 : memref<1024x64xf32, #tpu.memory_space<vmem>>) target_semaphore(%run_scoped3A : memref<!tpu.dma_semaphore, #tpu.memory_space<semaphore_mem>>)
      %dma_wait3A = arith.constant 0 : i32
      %dma_wait3A_233 = tpu.memref_slice %arg2[%mul3A_4, %dma_wait3A] : memref<16384x64xf32, #tpu.memory_space<hbm>> -> memref<1024x64xf32, #tpu.memory_space<hbm>>
      %dma_wait3A_234 = arith.constant 0 : i32
      %dma_wait3A_235 = tpu.memref_slice %arg2[%mul3A_4, %dma_wait3A_234] : memref<16384x64xf32, #tpu.memory_space<hbm>> -> memref<1024x64xf32, #tpu.memory_space<hbm>>
      tpu.wait_dma2 semaphore(%run_scoped3A : memref<!tpu.dma_semaphore, #tpu.memory_space<semaphore_mem>>) src(%dma_wait3A_235 : memref<1024x64xf32, #tpu.memory_space<hbm>>) dst(%arg8 : memref<1024x64xf32, #tpu.memory_space<vmem>>)
      tpu.yield
    }) : () -> ()
    "tpu.region"() ({
      %run_scoped3A = tpu.sem_alloc : memref<!tpu.dma_semaphore, #tpu.memory_space<semaphore_mem>>
      tpu.enqueue_dma source(%arg3 : memref<64xf32, #tpu.memory_space<hbm>>) target(%arg11 : memref<64xf32, #tpu.memory_space<vmem>>) target_semaphore(%run_scoped3A : memref<!tpu.dma_semaphore, #tpu.memory_space<semaphore_mem>>)
      tpu.wait_dma2 semaphore(%run_scoped3A : memref<!tpu.dma_semaphore, #tpu.memory_space<semaphore_mem>>) src(%arg3 : memref<64xf32, #tpu.memory_space<hbm>>) dst(%arg11 : memref<64xf32, #tpu.memory_space<vmem>>)
      tpu.yield
    }) : () -> ()
    "tpu.region"() ({
      %run_scoped3A = tpu.sem_alloc : memref<!tpu.dma_semaphore, #tpu.memory_space<semaphore_mem>>
      tpu.enqueue_dma source(%arg4 : memref<16xf32, #tpu.memory_space<hbm>>) target(%arg12 : memref<16xf32, #tpu.memory_space<vmem>>) target_semaphore(%run_scoped3A : memref<!tpu.dma_semaphore, #tpu.memory_space<semaphore_mem>>)
      tpu.wait_dma2 semaphore(%run_scoped3A : memref<!tpu.dma_semaphore, #tpu.memory_space<semaphore_mem>>) src(%arg4 : memref<16xf32, #tpu.memory_space<hbm>>) dst(%arg12 : memref<16xf32, #tpu.memory_space<vmem>>)
      tpu.yield
    }) : () -> ()
    "tpu.region"() ({
      %run_scoped3A = tpu.sem_alloc : memref<!tpu.dma_semaphore, #tpu.memory_space<semaphore_mem>>
      tpu.enqueue_dma source(%arg5 : memref<64xi32, #tpu.memory_space<hbm>>) target(%arg13 : memref<64xi32, #tpu.memory_space<vmem>>) target_semaphore(%run_scoped3A : memref<!tpu.dma_semaphore, #tpu.memory_space<semaphore_mem>>)
      tpu.wait_dma2 semaphore(%run_scoped3A : memref<!tpu.dma_semaphore, #tpu.memory_space<semaphore_mem>>) src(%arg5 : memref<64xi32, #tpu.memory_space<hbm>>) dst(%arg13 : memref<64xi32, #tpu.memory_space<vmem>>)
      tpu.yield
    }) : () -> ()
    %iota3A = tpu.iota {dimensions = array<i32: 0>} : vector<16xi32>
    %broadcast_in_dim3A = arith.constant 4 : i32
    %broadcast_in_dim3A_5 = vector.broadcast %broadcast_in_dim3A : i32 to vector<16xi32>
    %mul3A_6 = arith.muli %iota3A, %broadcast_in_dim3A_5 : vector<16xi32>
    %add3A_7 = arith.constant 0 : i32
    %add3A_8 = vector.broadcast %add3A_7 : i32 to vector<16xi32>
    %add3A_9 = arith.addi %mul3A_6, %add3A_8 : vector<16xi32>
    %gather3A = tpu.vector_load_idx %arg11[%add3A_9] : memref<64xf32, #tpu.memory_space<vmem>>[vector<16xi32>], vector<16xf32>,
    %mul3A_10 = arith.muli %iota3A, %broadcast_in_dim3A_5 : vector<16xi32>
    %add3A_11 = arith.constant 1 : i32
    %add3A_12 = vector.broadcast %add3A_11 : i32 to vector<16xi32>
    %add3A_13 = arith.addi %mul3A_10, %add3A_12 : vector<16xi32>
    %gather3A_14 = tpu.vector_load_idx %arg11[%add3A_13] : memref<64xf32, #tpu.memory_space<vmem>>[vector<16xi32>], vector<16xf32>,
    %mul3A_15 = arith.muli %iota3A, %broadcast_in_dim3A_5 : vector<16xi32>
    %add3A_16 = arith.constant 2 : i32
    %add3A_17 = vector.broadcast %add3A_16 : i32 to vector<16xi32>
    %add3A_18 = arith.addi %mul3A_15, %add3A_17 : vector<16xi32>
    %gather3A_19 = tpu.vector_load_idx %arg11[%add3A_18] : memref<64xf32, #tpu.memory_space<vmem>>[vector<16xi32>], vector<16xf32>,
    %mul3A_20 = arith.muli %iota3A, %broadcast_in_dim3A_5 : vector<16xi32>
    %add3A_21 = arith.constant 3 : i32
    %add3A_22 = vector.broadcast %add3A_21 : i32 to vector<16xi32>
    %add3A_23 = arith.addi %mul3A_20, %add3A_22 : vector<16xi32>
    %gather3A_24 = tpu.vector_load_idx %arg11[%add3A_23] : memref<64xf32, #tpu.memory_space<vmem>>[vector<16xi32>], vector<16xf32>,
    %mul3A_25 = arith.muli %iota3A, %broadcast_in_dim3A_5 : vector<16xi32>
    %add3A_26 = arith.constant 0 : i32
    %add3A_27 = vector.broadcast %add3A_26 : i32 to vector<16xi32>
    %add3A_28 = arith.addi %mul3A_25, %add3A_27 : vector<16xi32>
    %gather3A_29 = tpu.vector_load_idx %arg13[%add3A_28] : memref<64xi32, #tpu.memory_space<vmem>>[vector<16xi32>], vector<16xi32>,
    %mul3A_30 = arith.muli %iota3A, %broadcast_in_dim3A_5 : vector<16xi32>
    %add3A_31 = arith.constant 1 : i32
    %add3A_32 = vector.broadcast %add3A_31 : i32 to vector<16xi32>
    %add3A_33 = arith.addi %mul3A_30, %add3A_32 : vector<16xi32>
    %gather3A_34 = tpu.vector_load_idx %arg13[%add3A_33] : memref<64xi32, #tpu.memory_space<vmem>>[vector<16xi32>], vector<16xi32>,
    %mul3A_35 = arith.muli %iota3A, %broadcast_in_dim3A_5 : vector<16xi32>
    %add3A_36 = arith.constant 2 : i32
    %add3A_37 = vector.broadcast %add3A_36 : i32 to vector<16xi32>
    %add3A_38 = arith.addi %mul3A_35, %add3A_37 : vector<16xi32>
    %gather3A_39 = tpu.vector_load_idx %arg13[%add3A_38] : memref<64xi32, #tpu.memory_space<vmem>>[vector<16xi32>], vector<16xi32>,
    %mul3A_40 = arith.muli %iota3A, %broadcast_in_dim3A_5 : vector<16xi32>
    %add3A_41 = arith.constant 3 : i32
    %add3A_42 = vector.broadcast %add3A_41 : i32 to vector<16xi32>
    %add3A_43 = arith.addi %mul3A_40, %add3A_42 : vector<16xi32>
    %gather3A_44 = tpu.vector_load_idx %arg13[%add3A_43] : memref<64xi32, #tpu.memory_space<vmem>>[vector<16xi32>], vector<16xi32>,
    %get3A = arith.constant 0 : index
    %get3A_45 = tpu.vector_load %arg12[%get3A] {strides = array<i32>} : memref<16xf32, #tpu.memory_space<vmem>>, vector<16xf32>,
    %add3A_46 = arith.addf %gather3A, %gather3A_19 : vector<16xf32>
    %add3A_47 = arith.addf %gather3A_14, %gather3A_24 : vector<16xf32>
    %add3A_48 = arith.addf %add3A_46, %add3A_47 : vector<16xf32>
    %broadcast_in_dim3A_49 = arith.constant 1.000000e+00 : f32
    %broadcast_in_dim3A_50 = vector.broadcast %broadcast_in_dim3A_49 : f32 to vector<16xf32>
    %max3A = arith.maximumf %add3A_48, %broadcast_in_dim3A_50 : vector<16xf32>
    %broadcast_in_dim3A_51 = arith.constant 1.000000e+00 : f32
    %broadcast_in_dim3A_52 = vector.broadcast %broadcast_in_dim3A_51 : f32 to vector<16xf32>
    %broadcast_in_dim3A_53 = arith.constant 0.000000e+00 : f32
    %broadcast_in_dim3A_54 = vector.broadcast %broadcast_in_dim3A_53 : f32 to vector<16xf32>
    %broadcast_in_dim3A_55 = arith.constant -3.000000e+38 : f32
    %broadcast_in_dim3A_56 = vector.broadcast %broadcast_in_dim3A_55 : f32 to vector<16xf32>
    %broadcast_in_dim3A_57 = arith.constant 3.40282347E+38 : f32
    %broadcast_in_dim3A_58 = vector.broadcast %broadcast_in_dim3A_57 : f32 to vector<16xf32>
    %neg3A = arith.constant 0.000000e+00 : f32
    %neg3A_59 = vector.broadcast %neg3A : f32 to vector<16xf32>
    %neg3A_60 = arith.subf %neg3A_59, %broadcast_in_dim3A_58 : vector<16xf32>
    %swap3A = arith.constant 0 : index
    %swap3A_61 = tpu.vector_load %arg14[%swap3A] {strides = array<i32>} : memref<64xf32, #tpu.memory_space<vmem>>, vector<16xf32>,
    tpu.vector_store %arg14[%swap3A], %broadcast_in_dim3A_54 {strides = array<i32>} : memref<64xf32, #tpu.memory_space<vmem>>, vector<16xf32>,
    %swap3A_62 = arith.constant 16 : index
    %swap3A_63 = tpu.vector_load %arg14[%swap3A_62] {strides = array<i32>} : memref<64xf32, #tpu.memory_space<vmem>>, vector<16xf32>,
    tpu.vector_store %arg14[%swap3A_62], %broadcast_in_dim3A_54 {strides = array<i32>} : memref<64xf32, #tpu.memory_space<vmem>>, vector<16xf32>,
    %swap3A_64 = arith.constant 32 : index
    %swap3A_65 = tpu.vector_load %arg14[%swap3A_64] {strides = array<i32>} : memref<64xf32, #tpu.memory_space<vmem>>, vector<16xf32>,
    tpu.vector_store %arg14[%swap3A_64], %broadcast_in_dim3A_54 {strides = array<i32>} : memref<64xf32, #tpu.memory_space<vmem>>, vector<16xf32>,
    %swap3A_66 = arith.constant 48 : index
    %swap3A_67 = tpu.vector_load %arg14[%swap3A_66] {strides = array<i32>} : memref<64xf32, #tpu.memory_space<vmem>>, vector<16xf32>,
    tpu.vector_store %arg14[%swap3A_66], %broadcast_in_dim3A_54 {strides = array<i32>} : memref<64xf32, #tpu.memory_space<vmem>>, vector<16xf32>,
    tpu.vector_store_idx %arg14[%gather3A_29], %broadcast_in_dim3A_52 : memref<64xf32, #tpu.memory_space<vmem>>[vector<16xi32>], vector<16xf32>,
    tpu.vector_store_idx %arg14[%gather3A_34], %broadcast_in_dim3A_52 : memref<64xf32, #tpu.memory_space<vmem>>[vector<16xi32>], vector<16xf32>,
    tpu.vector_store_idx %arg14[%gather3A_39], %broadcast_in_dim3A_52 : memref<64xf32, #tpu.memory_space<vmem>>[vector<16xi32>], vector<16xf32>,
    tpu.vector_store_idx %arg14[%gather3A_44], %broadcast_in_dim3A_52 : memref<64xf32, #tpu.memory_space<vmem>>[vector<16xi32>], vector<16xf32>,
    %get3A_68 = arith.constant 0 : index
    %get3A_69 = tpu.vector_load %arg14[%get3A_68] {strides = array<i32>} : memref<64xf32, #tpu.memory_space<vmem>>, vector<16xf32>,
    %gt3A = arith.cmpf ogt, %get3A_69, %broadcast_in_dim3A_54 : vector<16xf32>
    %get3A_70 = arith.constant 16 : index
    %get3A_71 = tpu.vector_load %arg14[%get3A_70] {strides = array<i32>} : memref<64xf32, #tpu.memory_space<vmem>>, vector<16xf32>,
    %gt3A_72 = arith.cmpf ogt, %get3A_71, %broadcast_in_dim3A_54 : vector<16xf32>
    %get3A_73 = arith.constant 32 : index
    %get3A_74 = tpu.vector_load %arg14[%get3A_73] {strides = array<i32>} : memref<64xf32, #tpu.memory_space<vmem>>, vector<16xf32>,
    %gt3A_75 = arith.cmpf ogt, %get3A_74, %broadcast_in_dim3A_54 : vector<16xf32>
    %get3A_76 = arith.constant 48 : index
    %get3A_77 = tpu.vector_load %arg14[%get3A_76] {strides = array<i32>} : memref<64xf32, #tpu.memory_space<vmem>>, vector<16xf32>,
    %gt3A_78 = arith.cmpf ogt, %get3A_77, %broadcast_in_dim3A_54 : vector<16xf32>
    %parallel_loop3A = arith.constant 0 : i32
    %parallel_loop3A_79 = arith.constant 1024 : i32
    %parallel_loop3A_80 = arith.constant 1 : i32
    %parallel_loop3A_81:8 = scf.for %parallel_loop3A_230 = %parallel_loop3A to %parallel_loop3A_79 step %parallel_loop3A_80 iter_args(%parallel_loop3A_231 = %broadcast_in_dim3A_58, %parallel_loop3A_232 = %broadcast_in_dim3A_58, %parallel_loop3A_233 = %broadcast_in_dim3A_58, %parallel_loop3A_234 = %broadcast_in_dim3A_58, %parallel_loop3A_235 = %neg3A_60, %parallel_loop3A_236 = %neg3A_60, %parallel_loop3A_237 = %neg3A_60, %parallel_loop3A_238 = %neg3A_60) -> (vector<16xf32>, vector<16xf32>, vector<16xf32>, vector<16xf32>, vector<16xf32>, vector<16xf32>, vector<16xf32>, vector<16xf32>)  : i32 {
      %parallel_loop3A_239 = arith.index_cast %parallel_loop3A_230 : i32 to index
      %parallel_loop3A_240 = arith.constant 0 : index
      %parallel_loop3A_241 = tpu.vector_load %arg8[%parallel_loop3A_239, %parallel_loop3A_240] {strides = array<i32>} : memref<1024x64xf32, #tpu.memory_space<vmem>>, vector<16xf32>,
      %parallel_loop3A_242 = arith.index_cast %parallel_loop3A_230 : i32 to index
      %parallel_loop3A_243 = arith.constant 16 : index
      %parallel_loop3A_244 = tpu.vector_load %arg8[%parallel_loop3A_242, %parallel_loop3A_243] {strides = array<i32>} : memref<1024x64xf32, #tpu.memory_space<vmem>>, vector<16xf32>,
      %parallel_loop3A_245 = arith.index_cast %parallel_loop3A_230 : i32 to index
      %parallel_loop3A_246 = arith.constant 32 : index
      %parallel_loop3A_247 = tpu.vector_load %arg8[%parallel_loop3A_245, %parallel_loop3A_246] {strides = array<i32>} : memref<1024x64xf32, #tpu.memory_space<vmem>>, vector<16xf32>,
      %parallel_loop3A_248 = arith.index_cast %parallel_loop3A_230 : i32 to index
      %parallel_loop3A_249 = arith.constant 48 : index
      %parallel_loop3A_250 = tpu.vector_load %arg8[%parallel_loop3A_248, %parallel_loop3A_249] {strides = array<i32>} : memref<1024x64xf32, #tpu.memory_space<vmem>>, vector<16xf32>,
      %parallel_loop3A_251 = arith.select %gt3A, %parallel_loop3A_241, %broadcast_in_dim3A_58 : vector<16xi1>, vector<16xf32>
      %parallel_loop3A_252 = arith.minimumf %parallel_loop3A_231, %parallel_loop3A_251 : vector<16xf32>
      %parallel_loop3A_253 = arith.select %gt3A_72, %parallel_loop3A_244, %broadcast_in_dim3A_58 : vector<16xi1>, vector<16xf32>
      %parallel_loop3A_254 = arith.minimumf %parallel_loop3A_232, %parallel_loop3A_253 : vector<16xf32>
      %parallel_loop3A_255 = arith.select %gt3A_75, %parallel_loop3A_247, %broadcast_in_dim3A_58 : vector<16xi1>, vector<16xf32>
      %parallel_loop3A_256 = arith.minimumf %parallel_loop3A_233, %parallel_loop3A_255 : vector<16xf32>
      %parallel_loop3A_257 = arith.select %gt3A_78, %parallel_loop3A_250, %broadcast_in_dim3A_58 : vector<16xi1>, vector<16xf32>
      %parallel_loop3A_258 = arith.minimumf %parallel_loop3A_234, %parallel_loop3A_257 : vector<16xf32>
      %parallel_loop3A_259 = arith.select %gt3A, %parallel_loop3A_241, %neg3A_60 : vector<16xi1>, vector<16xf32>
      %parallel_loop3A_260 = arith.maximumf %parallel_loop3A_235, %parallel_loop3A_259 : vector<16xf32>
      %parallel_loop3A_261 = arith.select %gt3A_72, %parallel_loop3A_244, %neg3A_60 : vector<16xi1>, vector<16xf32>
      %parallel_loop3A_262 = arith.maximumf %parallel_loop3A_236, %parallel_loop3A_261 : vector<16xf32>
      %parallel_loop3A_263 = arith.select %gt3A_75, %parallel_loop3A_247, %neg3A_60 : vector<16xi1>, vector<16xf32>
      %parallel_loop3A_264 = arith.maximumf %parallel_loop3A_237, %parallel_loop3A_263 : vector<16xf32>
      %parallel_loop3A_265 = arith.select %gt3A_78, %parallel_loop3A_250, %neg3A_60 : vector<16xi1>, vector<16xf32>
      %parallel_loop3A_266 = arith.maximumf %parallel_loop3A_238, %parallel_loop3A_265 : vector<16xf32>
      scf.yield %parallel_loop3A_252, %parallel_loop3A_254, %parallel_loop3A_256, %parallel_loop3A_258, %parallel_loop3A_260, %parallel_loop3A_262, %parallel_loop3A_264, %parallel_loop3A_266 : vector<16xf32>, vector<16xf32>, vector<16xf32>, vector<16xf32>, vector<16xf32>, vector<16xf32>, vector<16xf32>, vector<16xf32>
    } {sc.loop_unroll_factor = 2 : i64, sc.parallel_access}
    %min3A = arith.minimumf %parallel_loop3A_81#0, %parallel_loop3A_81#1 : vector<16xf32>
    %min3A_82 = arith.minimumf %parallel_loop3A_81#2, %parallel_loop3A_81#3 : vector<16xf32>
    %min3A_83 = arith.minimumf %min3A, %min3A_82 : vector<16xf32>
    %max3A_84 = arith.maximumf %parallel_loop3A_81#4, %parallel_loop3A_81#5 : vector<16xf32>
    %max3A_85 = arith.maximumf %parallel_loop3A_81#6, %parallel_loop3A_81#7 : vector<16xf32>
    %max3A_86 = arith.maximumf %max3A_84, %max3A_85 : vector<16xf32>
    %swap3A_87 = arith.constant 0 : index
    %swap3A_88 = tpu.vector_load %arg15[%swap3A_87] {strides = array<i32>} : memref<32xf32, #tpu.memory_space<vmem>>, vector<16xf32>,
    tpu.vector_store %arg15[%swap3A_87], %min3A_83 {strides = array<i32>} : memref<32xf32, #tpu.memory_space<vmem>>, vector<16xf32>,
    %swap3A_89 = arith.constant 16 : index
    %swap3A_90 = tpu.vector_load %arg15[%swap3A_89] {strides = array<i32>} : memref<32xf32, #tpu.memory_space<vmem>>, vector<16xf32>,
    tpu.vector_store %arg15[%swap3A_89], %max3A_86 {strides = array<i32>} : memref<32xf32, #tpu.memory_space<vmem>>, vector<16xf32>,
    %mul3A_91 = arith.constant 32 : i32
    %mul3A_92 = arith.muli %arg1, %mul3A_91 : i32
    "tpu.region"() ({
      %run_scoped3A = tpu.sem_alloc : memref<!tpu.dma_semaphore, #tpu.memory_space<semaphore_mem>>
      %dma_start3A = tpu.memref_slice %arg17[%mul3A_92] : memref<512xf32, #tpu.memory_space<vmem_shared>> -> memref<32xf32, #tpu.memory_space<vmem_shared>>
      %dma_start3A_230 = tpu.memref_slice %arg17[%mul3A_92] : memref<512xf32, #tpu.memory_space<vmem_shared>> -> memref<32xf32, #tpu.memory_space<vmem_shared>>
      tpu.enqueue_dma source(%arg15 : memref<32xf32, #tpu.memory_space<vmem>>) target(%dma_start3A_230 : memref<32xf32, #tpu.memory_space<vmem_shared>>) target_semaphore(%run_scoped3A : memref<!tpu.dma_semaphore, #tpu.memory_space<semaphore_mem>>)
      %dma_wait3A = tpu.memref_slice %arg17[%mul3A_92] : memref<512xf32, #tpu.memory_space<vmem_shared>> -> memref<32xf32, #tpu.memory_space<vmem_shared>>
      %dma_wait3A_231 = tpu.memref_slice %arg17[%mul3A_92] : memref<512xf32, #tpu.memory_space<vmem_shared>> -> memref<32xf32, #tpu.memory_space<vmem_shared>>
      tpu.wait_dma2 semaphore(%run_scoped3A : memref<!tpu.dma_semaphore, #tpu.memory_space<semaphore_mem>>) src(%arg15 : memref<32xf32, #tpu.memory_space<vmem>>) dst(%dma_wait3A_231 : memref<32xf32, #tpu.memory_space<vmem_shared>>)
      tpu.yield
    }) : () -> ()
    %barrier3A = arith.constant 0 : index
    tpu.barrier barrier_id(%barrier3A)
    "tpu.region"() ({
      %run_scoped3A = tpu.sem_alloc : memref<!tpu.dma_semaphore, #tpu.memory_space<semaphore_mem>>
      tpu.enqueue_dma source(%arg17 : memref<512xf32, #tpu.memory_space<vmem_shared>>) target(%arg16 : memref<512xf32, #tpu.memory_space<vmem>>) target_semaphore(%run_scoped3A : memref<!tpu.dma_semaphore, #tpu.memory_space<semaphore_mem>>)
      tpu.wait_dma2 semaphore(%run_scoped3A : memref<!tpu.dma_semaphore, #tpu.memory_space<semaphore_mem>>) src(%arg17 : memref<512xf32, #tpu.memory_space<vmem_shared>>) dst(%arg16 : memref<512xf32, #tpu.memory_space<vmem>>)
      tpu.yield
    }) : () -> ()
    %get3A_93 = arith.constant 0 : index
    %get3A_94 = tpu.vector_load %arg16[%get3A_93] {strides = array<i32>} : memref<512xf32, #tpu.memory_space<vmem>>, vector<16xf32>,
    %get3A_95 = arith.constant 16 : index
    %get3A_96 = tpu.vector_load %arg16[%get3A_95] {strides = array<i32>} : memref<512xf32, #tpu.memory_space<vmem>>, vector<16xf32>,
    %get3A_97 = arith.constant 32 : index
    %get3A_98 = tpu.vector_load %arg16[%get3A_97] {strides = array<i32>} : memref<512xf32, #tpu.memory_space<vmem>>, vector<16xf32>,
    %min3A_99 = arith.minimumf %get3A_94, %get3A_98 : vector<16xf32>
    %get3A_100 = arith.constant 48 : index
    %get3A_101 = tpu.vector_load %arg16[%get3A_100] {strides = array<i32>} : memref<512xf32, #tpu.memory_space<vmem>>, vector<16xf32>,
    %max3A_102 = arith.maximumf %get3A_96, %get3A_101 : vector<16xf32>
    %get3A_103 = arith.constant 64 : index
    %get3A_104 = tpu.vector_load %arg16[%get3A_103] {strides = array<i32>} : memref<512xf32, #tpu.memory_space<vmem>>, vector<16xf32>,
    %min3A_105 = arith.minimumf %min3A_99, %get3A_104 : vector<16xf32>
    %get3A_106 = arith.constant 80 : index
    %get3A_107 = tpu.vector_load %arg16[%get3A_106] {strides = array<i32>} : memref<512xf32, #tpu.memory_space<vmem>>, vector<16xf32>,
    %max3A_108 = arith.maximumf %max3A_102, %get3A_107 : vector<16xf32>
    %get3A_109 = arith.constant 96 : index
    %get3A_110 = tpu.vector_load %arg16[%get3A_109] {strides = array<i32>} : memref<512xf32, #tpu.memory_space<vmem>>, vector<16xf32>,
    %min3A_111 = arith.minimumf %min3A_105, %get3A_110 : vector<16xf32>
    %get3A_112 = arith.constant 112 : index
    %get3A_113 = tpu.vector_load %arg16[%get3A_112] {strides = array<i32>} : memref<512xf32, #tpu.memory_space<vmem>>, vector<16xf32>,
    %max3A_114 = arith.maximumf %max3A_108, %get3A_113 : vector<16xf32>
    %get3A_115 = arith.constant 128 : index
    %get3A_116 = tpu.vector_load %arg16[%get3A_115] {strides = array<i32>} : memref<512xf32, #tpu.memory_space<vmem>>, vector<16xf32>,
    %min3A_117 = arith.minimumf %min3A_111, %get3A_116 : vector<16xf32>
    %get3A_118 = arith.constant 144 : index
    %get3A_119 = tpu.vector_load %arg16[%get3A_118] {strides = array<i32>} : memref<512xf32, #tpu.memory_space<vmem>>, vector<16xf32>,
    %max3A_120 = arith.maximumf %max3A_114, %get3A_119 : vector<16xf32>
    %get3A_121 = arith.constant 160 : index
    %get3A_122 = tpu.vector_load %arg16[%get3A_121] {strides = array<i32>} : memref<512xf32, #tpu.memory_space<vmem>>, vector<16xf32>,
    %min3A_123 = arith.minimumf %min3A_117, %get3A_122 : vector<16xf32>
    %get3A_124 = arith.constant 176 : index
    %get3A_125 = tpu.vector_load %arg16[%get3A_124] {strides = array<i32>} : memref<512xf32, #tpu.memory_space<vmem>>, vector<16xf32>,
    %max3A_126 = arith.maximumf %max3A_120, %get3A_125 : vector<16xf32>
    %get3A_127 = arith.constant 192 : index
    %get3A_128 = tpu.vector_load %arg16[%get3A_127] {strides = array<i32>} : memref<512xf32, #tpu.memory_space<vmem>>, vector<16xf32>,
    %min3A_129 = arith.minimumf %min3A_123, %get3A_128 : vector<16xf32>
    %get3A_130 = arith.constant 208 : index
    %get3A_131 = tpu.vector_load %arg16[%get3A_130] {strides = array<i32>} : memref<512xf32, #tpu.memory_space<vmem>>, vector<16xf32>,
    %max3A_132 = arith.maximumf %max3A_126, %get3A_131 : vector<16xf32>
    %get3A_133 = arith.constant 224 : index
    %get3A_134 = tpu.vector_load %arg16[%get3A_133] {strides = array<i32>} : memref<512xf32, #tpu.memory_space<vmem>>, vector<16xf32>,
    %min3A_135 = arith.minimumf %min3A_129, %get3A_134 : vector<16xf32>
    %get3A_136 = arith.constant 240 : index
    %get3A_137 = tpu.vector_load %arg16[%get3A_136] {strides = array<i32>} : memref<512xf32, #tpu.memory_space<vmem>>, vector<16xf32>,
    %max3A_138 = arith.maximumf %max3A_132, %get3A_137 : vector<16xf32>
    %get3A_139 = arith.constant 256 : index
    %get3A_140 = tpu.vector_load %arg16[%get3A_139] {strides = array<i32>} : memref<512xf32, #tpu.memory_space<vmem>>, vector<16xf32>,
    %min3A_141 = arith.minimumf %min3A_135, %get3A_140 : vector<16xf32>
    %get3A_142 = arith.constant 272 : index
    %get3A_143 = tpu.vector_load %arg16[%get3A_142] {strides = array<i32>} : memref<512xf32, #tpu.memory_space<vmem>>, vector<16xf32>,
    %max3A_144 = arith.maximumf %max3A_138, %get3A_143 : vector<16xf32>
    %get3A_145 = arith.constant 288 : index
    %get3A_146 = tpu.vector_load %arg16[%get3A_145] {strides = array<i32>} : memref<512xf32, #tpu.memory_space<vmem>>, vector<16xf32>,
    %min3A_147 = arith.minimumf %min3A_141, %get3A_146 : vector<16xf32>
    %get3A_148 = arith.constant 304 : index
    %get3A_149 = tpu.vector_load %arg16[%get3A_148] {strides = array<i32>} : memref<512xf32, #tpu.memory_space<vmem>>, vector<16xf32>,
    %max3A_150 = arith.maximumf %max3A_144, %get3A_149 : vector<16xf32>
    %get3A_151 = arith.constant 320 : index
    %get3A_152 = tpu.vector_load %arg16[%get3A_151] {strides = array<i32>} : memref<512xf32, #tpu.memory_space<vmem>>, vector<16xf32>,
    %min3A_153 = arith.minimumf %min3A_147, %get3A_152 : vector<16xf32>
    %get3A_154 = arith.constant 336 : index
    %get3A_155 = tpu.vector_load %arg16[%get3A_154] {strides = array<i32>} : memref<512xf32, #tpu.memory_space<vmem>>, vector<16xf32>,
    %max3A_156 = arith.maximumf %max3A_150, %get3A_155 : vector<16xf32>
    %get3A_157 = arith.constant 352 : index
    %get3A_158 = tpu.vector_load %arg16[%get3A_157] {strides = array<i32>} : memref<512xf32, #tpu.memory_space<vmem>>, vector<16xf32>,
    %min3A_159 = arith.minimumf %min3A_153, %get3A_158 : vector<16xf32>
    %get3A_160 = arith.constant 368 : index
    %get3A_161 = tpu.vector_load %arg16[%get3A_160] {strides = array<i32>} : memref<512xf32, #tpu.memory_space<vmem>>, vector<16xf32>,
    %max3A_162 = arith.maximumf %max3A_156, %get3A_161 : vector<16xf32>
    %get3A_163 = arith.constant 384 : index
    %get3A_164 = tpu.vector_load %arg16[%get3A_163] {strides = array<i32>} : memref<512xf32, #tpu.memory_space<vmem>>, vector<16xf32>,
    %min3A_165 = arith.minimumf %min3A_159, %get3A_164 : vector<16xf32>
    %get3A_166 = arith.constant 400 : index
    %get3A_167 = tpu.vector_load %arg16[%get3A_166] {strides = array<i32>} : memref<512xf32, #tpu.memory_space<vmem>>, vector<16xf32>,
    %max3A_168 = arith.maximumf %max3A_162, %get3A_167 : vector<16xf32>
    %get3A_169 = arith.constant 416 : index
    %get3A_170 = tpu.vector_load %arg16[%get3A_169] {strides = array<i32>} : memref<512xf32, #tpu.memory_space<vmem>>, vector<16xf32>,
    %min3A_171 = arith.minimumf %min3A_165, %get3A_170 : vector<16xf32>
    %get3A_172 = arith.constant 432 : index
    %get3A_173 = tpu.vector_load %arg16[%get3A_172] {strides = array<i32>} : memref<512xf32, #tpu.memory_space<vmem>>, vector<16xf32>,
    %max3A_174 = arith.maximumf %max3A_168, %get3A_173 : vector<16xf32>
    %get3A_175 = arith.constant 448 : index
    %get3A_176 = tpu.vector_load %arg16[%get3A_175] {strides = array<i32>} : memref<512xf32, #tpu.memory_space<vmem>>, vector<16xf32>,
    %min3A_177 = arith.minimumf %min3A_171, %get3A_176 : vector<16xf32>
    %get3A_178 = arith.constant 464 : index
    %get3A_179 = tpu.vector_load %arg16[%get3A_178] {strides = array<i32>} : memref<512xf32, #tpu.memory_space<vmem>>, vector<16xf32>,
    %max3A_180 = arith.maximumf %max3A_174, %get3A_179 : vector<16xf32>
    %get3A_181 = arith.constant 480 : index
    %get3A_182 = tpu.vector_load %arg16[%get3A_181] {strides = array<i32>} : memref<512xf32, #tpu.memory_space<vmem>>, vector<16xf32>,
    %min3A_183 = arith.minimumf %min3A_177, %get3A_182 : vector<16xf32>
    %get3A_184 = arith.constant 496 : index
    %get3A_185 = tpu.vector_load %arg16[%get3A_184] {strides = array<i32>} : memref<512xf32, #tpu.memory_space<vmem>>, vector<16xf32>,
    %max3A_186 = arith.maximumf %max3A_180, %get3A_185 : vector<16xf32>
    %reduce_min3A = arith.constant true
    %reduce_min3A_187 = vector.broadcast %reduce_min3A : i1 to vector<16xi1>
    %reduce_min3A_188 = tpu.scan <min>, %min3A_183 masked %reduce_min3A_187 : vector<16xf32>, vector<16xi1> -> vector<16xf32>
    %reduce_min3A_189 = vector.extract %reduce_min3A_188[15] : f32 from vector<16xf32>
    %reduce_max3A = arith.constant true
    %reduce_max3A_190 = vector.broadcast %reduce_max3A : i1 to vector<16xi1>
    %reduce_max3A_191 = tpu.scan <max>, %max3A_186 masked %reduce_max3A_190 : vector<16xf32>, vector<16xi1> -> vector<16xf32>
    %reduce_max3A_192 = vector.extract %reduce_max3A_191[15] : f32 from vector<16xf32>
    %ge3A = arith.constant -9.99999997E-7 : f32
    %ge3A_193 = arith.cmpf oge, %reduce_min3A_189, %ge3A : f32
    %le3A = arith.constant 1.00000095 : f32
    %le3A_194 = arith.cmpf ole, %reduce_max3A_192, %le3A : f32
    %and3A = arith.andi %ge3A_193, %le3A_194 : i1
    %broadcast_in_dim3A_195 = vector.broadcast %and3A : i1 to vector<16xi1>
    %broadcast_in_dim3A_196 = arith.constant 2.000000e-01 : f32
    %broadcast_in_dim3A_197 = vector.broadcast %broadcast_in_dim3A_196 : f32 to vector<16xf32>
    %broadcast_in_dim3A_198 = arith.constant -0.841621279 : f32
    %broadcast_in_dim3A_199 = vector.broadcast %broadcast_in_dim3A_198 : f32 to vector<16xf32>
    %select_n3A = arith.select %broadcast_in_dim3A_195, %broadcast_in_dim3A_197, %broadcast_in_dim3A_199 : vector<16xi1>, vector<16xf32>
    %broadcast_in_dim3A_200 = arith.constant 4.000000e-01 : f32
    %broadcast_in_dim3A_201 = vector.broadcast %broadcast_in_dim3A_200 : f32 to vector<16xf32>
    %broadcast_in_dim3A_202 = arith.constant -0.253347099 : f32
    %broadcast_in_dim3A_203 = vector.broadcast %broadcast_in_dim3A_202 : f32 to vector<16xf32>
    %select_n3A_204 = arith.select %broadcast_in_dim3A_195, %broadcast_in_dim3A_201, %broadcast_in_dim3A_203 : vector<16xi1>, vector<16xf32>
    %broadcast_in_dim3A_205 = arith.constant 6.000000e-01 : f32
    %broadcast_in_dim3A_206 = vector.broadcast %broadcast_in_dim3A_205 : f32 to vector<16xf32>
    %broadcast_in_dim3A_207 = arith.constant 0.253347099 : f32
    %broadcast_in_dim3A_208 = vector.broadcast %broadcast_in_dim3A_207 : f32 to vector<16xf32>
    %select_n3A_209 = arith.select %broadcast_in_dim3A_195, %broadcast_in_dim3A_206, %broadcast_in_dim3A_208 : vector<16xi1>, vector<16xf32>
    %broadcast_in_dim3A_210 = arith.constant 8.000000e-01 : f32
    %broadcast_in_dim3A_211 = vector.broadcast %broadcast_in_dim3A_210 : f32 to vector<16xf32>
    %broadcast_in_dim3A_212 = arith.constant 0.841621339 : f32
    %broadcast_in_dim3A_213 = vector.broadcast %broadcast_in_dim3A_212 : f32 to vector<16xf32>
    %select_n3A_214 = arith.select %broadcast_in_dim3A_195, %broadcast_in_dim3A_211, %broadcast_in_dim3A_213 : vector<16xi1>, vector<16xf32>
    %broadcast_in_dim3A_215 = arith.constant 1.000000e-01 : f32
    %broadcast_in_dim3A_216 = vector.broadcast %broadcast_in_dim3A_215 : f32 to vector<16xf32>
    %broadcast_in_dim3A_217 = arith.constant 3.000000e-01 : f32
    %broadcast_in_dim3A_218 = vector.broadcast %broadcast_in_dim3A_217 : f32 to vector<16xf32>
    %broadcast_in_dim3A_219 = arith.constant 5.000000e-01 : f32
    %broadcast_in_dim3A_220 = vector.broadcast %broadcast_in_dim3A_219 : f32 to vector<16xf32>
    %broadcast_in_dim3A_221 = arith.constant 0.699999988 : f32
    %broadcast_in_dim3A_222 = vector.broadcast %broadcast_in_dim3A_221 : f32 to vector<16xf32>
    %broadcast_in_dim3A_223 = arith.constant 0.900000035 : f32
    %broadcast_in_dim3A_224 = vector.broadcast %broadcast_in_dim3A_223 : f32 to vector<16xf32>
    %mul3A_225 = arith.constant 512 : i32
    %mul3A_226 = arith.muli %arg0, %mul3A_225 : i32
    %parallel_loop3A_227 = arith.constant 0 : i32
    %parallel_loop3A_228 = arith.constant 512 : i32
    %parallel_loop3A_229 = arith.constant 1 : i32
    scf.for %parallel_loop3A_230 = %parallel_loop3A_227 to %parallel_loop3A_228 step %parallel_loop3A_229  : i32 {
      %parallel_loop3A_231 = arith.addi %mul3A_226, %parallel_loop3A_230 : i32
      %parallel_loop3A_232 = vector.broadcast %parallel_loop3A_231 : i32 to vector<16xi32>
      %parallel_loop3A_233 = tpu.vector_load_idx %arg8[%parallel_loop3A_232, %gather3A_29] : memref<1024x64xf32, #tpu.memory_space<vmem>>[vector<16xi32>, vector<16xi32>], vector<16xf32>,
      %parallel_loop3A_234 = arith.cmpf oge, %parallel_loop3A_233, %select_n3A : vector<16xf32>
      %parallel_loop3A_235 = arith.select %parallel_loop3A_234, %broadcast_in_dim3A_218, %broadcast_in_dim3A_216 : vector<16xi1>, vector<16xf32>
      %parallel_loop3A_236 = arith.cmpf oge, %parallel_loop3A_233, %select_n3A_204 : vector<16xf32>
      %parallel_loop3A_237 = arith.select %parallel_loop3A_236, %broadcast_in_dim3A_220, %parallel_loop3A_235 : vector<16xi1>, vector<16xf32>
      %parallel_loop3A_238 = arith.cmpf oge, %parallel_loop3A_233, %select_n3A_209 : vector<16xf32>
      %parallel_loop3A_239 = arith.select %parallel_loop3A_238, %broadcast_in_dim3A_222, %parallel_loop3A_237 : vector<16xi1>, vector<16xf32>
      %parallel_loop3A_240 = arith.cmpf oge, %parallel_loop3A_233, %select_n3A_214 : vector<16xf32>
      %parallel_loop3A_241 = arith.select %parallel_loop3A_240, %broadcast_in_dim3A_224, %parallel_loop3A_239 : vector<16xi1>, vector<16xf32>
      %parallel_loop3A_242 = arith.mulf %parallel_loop3A_241, %gather3A : vector<16xf32>
      %parallel_loop3A_243 = tpu.vector_load_idx %arg8[%parallel_loop3A_232, %gather3A_34] : memref<1024x64xf32, #tpu.memory_space<vmem>>[vector<16xi32>, vector<16xi32>], vector<16xf32>,
      %parallel_loop3A_244 = arith.cmpf oge, %parallel_loop3A_243, %select_n3A : vector<16xf32>
      %parallel_loop3A_245 = arith.select %parallel_loop3A_244, %broadcast_in_dim3A_218, %broadcast_in_dim3A_216 : vector<16xi1>, vector<16xf32>
      %parallel_loop3A_246 = arith.cmpf oge, %parallel_loop3A_243, %select_n3A_204 : vector<16xf32>
      %parallel_loop3A_247 = arith.select %parallel_loop3A_246, %broadcast_in_dim3A_220, %parallel_loop3A_245 : vector<16xi1>, vector<16xf32>
      %parallel_loop3A_248 = arith.cmpf oge, %parallel_loop3A_243, %select_n3A_209 : vector<16xf32>
      %parallel_loop3A_249 = arith.select %parallel_loop3A_248, %broadcast_in_dim3A_222, %parallel_loop3A_247 : vector<16xi1>, vector<16xf32>
      %parallel_loop3A_250 = arith.cmpf oge, %parallel_loop3A_243, %select_n3A_214 : vector<16xf32>
      %parallel_loop3A_251 = arith.select %parallel_loop3A_250, %broadcast_in_dim3A_224, %parallel_loop3A_249 : vector<16xi1>, vector<16xf32>
      %parallel_loop3A_252 = arith.mulf %parallel_loop3A_251, %gather3A_14 : vector<16xf32>
      %parallel_loop3A_253 = tpu.vector_load_idx %arg8[%parallel_loop3A_232, %gather3A_39] : memref<1024x64xf32, #tpu.memory_space<vmem>>[vector<16xi32>, vector<16xi32>], vector<16xf32>,
      %parallel_loop3A_254 = arith.cmpf oge, %parallel_loop3A_253, %select_n3A : vector<16xf32>
      %parallel_loop3A_255 = arith.select %parallel_loop3A_254, %broadcast_in_dim3A_218, %broadcast_in_dim3A_216 : vector<16xi1>, vector<16xf32>
      %parallel_loop3A_256 = arith.cmpf oge, %parallel_loop3A_253, %select_n3A_204 : vector<16xf32>
      %parallel_loop3A_257 = arith.select %parallel_loop3A_256, %broadcast_in_dim3A_220, %parallel_loop3A_255 : vector<16xi1>, vector<16xf32>
      %parallel_loop3A_258 = arith.cmpf oge, %parallel_loop3A_253, %select_n3A_209 : vector<16xf32>
      %parallel_loop3A_259 = arith.select %parallel_loop3A_258, %broadcast_in_dim3A_222, %parallel_loop3A_257 : vector<16xi1>, vector<16xf32>
      %parallel_loop3A_260 = arith.cmpf oge, %parallel_loop3A_253, %select_n3A_214 : vector<16xf32>
      %parallel_loop3A_261 = arith.select %parallel_loop3A_260, %broadcast_in_dim3A_224, %parallel_loop3A_259 : vector<16xi1>, vector<16xf32>
      %parallel_loop3A_262 = arith.mulf %parallel_loop3A_261, %gather3A_19 : vector<16xf32>
      %parallel_loop3A_263 = tpu.vector_load_idx %arg8[%parallel_loop3A_232, %gather3A_44] : memref<1024x64xf32, #tpu.memory_space<vmem>>[vector<16xi32>, vector<16xi32>], vector<16xf32>,
      %parallel_loop3A_264 = arith.cmpf oge, %parallel_loop3A_263, %select_n3A : vector<16xf32>
      %parallel_loop3A_265 = arith.select %parallel_loop3A_264, %broadcast_in_dim3A_218, %broadcast_in_dim3A_216 : vector<16xi1>, vector<16xf32>
      %parallel_loop3A_266 = arith.cmpf oge, %parallel_loop3A_263, %select_n3A_204 : vector<16xf32>
      %parallel_loop3A_267 = arith.select %parallel_loop3A_266, %broadcast_in_dim3A_220, %parallel_loop3A_265 : vector<16xi1>, vector<16xf32>
      %parallel_loop3A_268 = arith.cmpf oge, %parallel_loop3A_263, %select_n3A_209 : vector<16xf32>
      %parallel_loop3A_269 = arith.select %parallel_loop3A_268, %broadcast_in_dim3A_222, %parallel_loop3A_267 : vector<16xi1>, vector<16xf32>
      %parallel_loop3A_270 = arith.cmpf oge, %parallel_loop3A_263, %select_n3A_214 : vector<16xf32>
      %parallel_loop3A_271 = arith.select %parallel_loop3A_270, %broadcast_in_dim3A_224, %parallel_loop3A_269 : vector<16xi1>, vector<16xf32>
      %parallel_loop3A_272 = arith.mulf %parallel_loop3A_271, %gather3A_24 : vector<16xf32>
      %parallel_loop3A_273 = arith.addf %parallel_loop3A_242, %parallel_loop3A_262 : vector<16xf32>
      %parallel_loop3A_274 = arith.addf %parallel_loop3A_252, %parallel_loop3A_272 : vector<16xf32>
      %parallel_loop3A_275 = arith.addf %parallel_loop3A_273, %parallel_loop3A_274 : vector<16xf32>
      %parallel_loop3A_276 = arith.divf %parallel_loop3A_275, %max3A : vector<16xf32>
      %parallel_loop3A_277 = arith.addf %parallel_loop3A_276, %get3A_45 : vector<16xf32>
      %parallel_loop3A_278 = arith.constant true
      %parallel_loop3A_279 = vector.broadcast %parallel_loop3A_278 : i1 to vector<16xi1>
      %parallel_loop3A_280 = tpu.scan <max>, %parallel_loop3A_277 masked %parallel_loop3A_279 : vector<16xf32>, vector<16xi1> -> vector<16xf32>
      %parallel_loop3A_281 = vector.extract %parallel_loop3A_280[15] : f32 from vector<16xf32>
      %parallel_loop3A_282 = vector.broadcast %parallel_loop3A_281 : f32 to vector<16xf32>
      %parallel_loop3A_283 = arith.cmpf oeq, %parallel_loop3A_277, %parallel_loop3A_282 : vector<16xf32>
      %parallel_loop3A_284 = tpu.all_reduce %parallel_loop3A_283 {dim = 0 : i64, kind = #tpu.reduction_kind<find_first_set>} : vector<16xi1> -> vector<16xi32>
      %parallel_loop3A_285 = arith.cmpi eq, %iota3A, %parallel_loop3A_284 : vector<16xi32>
      %parallel_loop3A_286 = arith.select %parallel_loop3A_285, %broadcast_in_dim3A_56, %parallel_loop3A_277 : vector<16xi1>, vector<16xf32>
      %parallel_loop3A_287 = arith.constant true
      %parallel_loop3A_288 = vector.broadcast %parallel_loop3A_287 : i1 to vector<16xi1>
      %parallel_loop3A_289 = tpu.scan <max>, %parallel_loop3A_286 masked %parallel_loop3A_288 : vector<16xf32>, vector<16xi1> -> vector<16xf32>
      %parallel_loop3A_290 = vector.extract %parallel_loop3A_289[15] : f32 from vector<16xf32>
      %parallel_loop3A_291 = vector.broadcast %parallel_loop3A_290 : f32 to vector<16xf32>
      %parallel_loop3A_292 = arith.cmpf oeq, %parallel_loop3A_286, %parallel_loop3A_291 : vector<16xf32>
      %parallel_loop3A_293 = tpu.all_reduce %parallel_loop3A_292 {dim = 0 : i64, kind = #tpu.reduction_kind<find_first_set>} : vector<16xi1> -> vector<16xi32>
      %parallel_loop3A_294 = arith.cmpi eq, %iota3A, %parallel_loop3A_293 : vector<16xi32>
      %parallel_loop3A_295 = arith.subf %parallel_loop3A_290, %parallel_loop3A_281 : f32
      %parallel_loop3A_296 = vector.broadcast %parallel_loop3A_295 : f32 to vector<16xf32>
      %parallel_loop3A_297 = math.exp %parallel_loop3A_296 : vector<16xf32>
      %parallel_loop3A_298 = arith.addf %broadcast_in_dim3A_52, %parallel_loop3A_297 : vector<16xf32>
      %parallel_loop3A_299 = arith.divf %broadcast_in_dim3A_52, %parallel_loop3A_298 : vector<16xf32>
      %parallel_loop3A_300 = arith.divf %parallel_loop3A_297, %parallel_loop3A_298 : vector<16xf32>
      %parallel_loop3A_301 = arith.select %parallel_loop3A_294, %parallel_loop3A_300, %broadcast_in_dim3A_54 : vector<16xi1>, vector<16xf32>
      %parallel_loop3A_302 = arith.select %parallel_loop3A_285, %parallel_loop3A_299, %parallel_loop3A_301 : vector<16xi1>, vector<16xf32>
      %parallel_loop3A_303 = arith.index_cast %parallel_loop3A_230 : i32 to index
      %parallel_loop3A_304 = arith.constant 0 : index
      %parallel_loop3A_305 = tpu.vector_load %arg10[%parallel_loop3A_303, %parallel_loop3A_304] {strides = array<i32>} : memref<512x16xf32, #tpu.memory_space<vmem>>, vector<16xf32>,
      tpu.vector_store %arg10[%parallel_loop3A_303, %parallel_loop3A_304], %parallel_loop3A_277 {strides = array<i32>} : memref<512x16xf32, #tpu.memory_space<vmem>>, vector<16xf32>,
      %parallel_loop3A_306 = arith.index_cast %parallel_loop3A_230 : i32 to index
      %parallel_loop3A_307 = arith.constant 0 : index
      %parallel_loop3A_308 = tpu.vector_load %arg9[%parallel_loop3A_306, %parallel_loop3A_307] {strides = array<i32>} : memref<512x16xf32, #tpu.memory_space<vmem>>, vector<16xf32>,
      tpu.vector_store %arg9[%parallel_loop3A_306, %parallel_loop3A_307], %parallel_loop3A_302 {strides = array<i32>} : memref<512x16xf32, #tpu.memory_space<vmem>>, vector<16xf32>,
    } {sc.loop_unroll_factor = 4 : i64, sc.parallel_access}
    "tpu.region"() ({
      %run_scoped3A = tpu.sem_alloc : memref<!tpu.dma_semaphore, #tpu.memory_space<semaphore_mem>>
      %dma_start3A = arith.constant 0 : i32
      %dma_start3A_230 = tpu.memref_slice %arg6[%mul3A_2, %dma_start3A] : memref<16384x16xf32, #tpu.memory_space<hbm>> -> memref<512x16xf32, #tpu.memory_space<hbm>>
      %dma_start3A_231 = arith.constant 0 : i32
      %dma_start3A_232 = tpu.memref_slice %arg6[%mul3A_2, %dma_start3A_231] : memref<16384x16xf32, #tpu.memory_space<hbm>> -> memref<512x16xf32, #tpu.memory_space<hbm>>
      tpu.enqueue_dma source(%arg9 : memref<512x16xf32, #tpu.memory_space<vmem>>) target(%dma_start3A_232 : memref<512x16xf32, #tpu.memory_space<hbm>>) target_semaphore(%run_scoped3A : memref<!tpu.dma_semaphore, #tpu.memory_space<semaphore_mem>>)
      %dma_wait3A = arith.constant 0 : i32
      %dma_wait3A_233 = tpu.memref_slice %arg6[%mul3A_2, %dma_wait3A] : memref<16384x16xf32, #tpu.memory_space<hbm>> -> memref<512x16xf32, #tpu.memory_space<hbm>>
      %dma_wait3A_234 = arith.constant 0 : i32
      %dma_wait3A_235 = tpu.memref_slice %arg6[%mul3A_2, %dma_wait3A_234] : memref<16384x16xf32, #tpu.memory_space<hbm>> -> memref<512x16xf32, #tpu.memory_space<hbm>>
      tpu.wait_dma2 semaphore(%run_scoped3A : memref<!tpu.dma_semaphore, #tpu.memory_space<semaphore_mem>>) src(%arg9 : memref<512x16xf32, #tpu.memory_space<vmem>>) dst(%dma_wait3A_235 : memref<512x16xf32, #tpu.memory_space<hbm>>)
      tpu.yield
    }) : () -> ()
    "tpu.region"() ({
      %run_scoped3A = tpu.sem_alloc : memref<!tpu.dma_semaphore, #tpu.memory_space<semaphore_mem>>
      %dma_start3A = arith.constant 0 : i32
      %dma_start3A_230 = tpu.memref_slice %arg7[%mul3A_2, %dma_start3A] : memref<16384x16xf32, #tpu.memory_space<hbm>> -> memref<512x16xf32, #tpu.memory_space<hbm>>
      %dma_start3A_231 = arith.constant 0 : i32
      %dma_start3A_232 = tpu.memref_slice %arg7[%mul3A_2, %dma_start3A_231] : memref<16384x16xf32, #tpu.memory_space<hbm>> -> memref<512x16xf32, #tpu.memory_space<hbm>>
      tpu.enqueue_dma source(%arg10 : memref<512x16xf32, #tpu.memory_space<vmem>>) target(%dma_start3A_232 : memref<512x16xf32, #tpu.memory_space<hbm>>) target_semaphore(%run_scoped3A : memref<!tpu.dma_semaphore, #tpu.memory_space<semaphore_mem>>)
      %dma_wait3A = arith.constant 0 : i32
      %dma_wait3A_233 = tpu.memref_slice %arg7[%mul3A_2, %dma_wait3A] : memref<16384x16xf32, #tpu.memory_space<hbm>> -> memref<512x16xf32, #tpu.memory_space<hbm>>
      %dma_wait3A_234 = arith.constant 0 : i32
      %dma_wait3A_235 = tpu.memref_slice %arg7[%mul3A_2, %dma_wait3A_234] : memref<16384x16xf32, #tpu.memory_space<hbm>> -> memref<512x16xf32, #tpu.memory_space<hbm>>
      tpu.wait_dma2 semaphore(%run_scoped3A : memref<!tpu.dma_semaphore, #tpu.memory_space<semaphore_mem>>) src(%arg10 : memref<512x16xf32, #tpu.memory_space<vmem>>) dst(%dma_wait3A_235 : memref<512x16xf32, #tpu.memory_space<hbm>>)
      tpu.yield
    }) : () -> ()
    return
  }
}

</mosaic_0001>

<sc_bundles>
// kernel: kernel.3.cloned.1.call-start
scs
__scs_entry_jumppad:
0x0: {  	(pc) =	sbr.rel $0x88, $3  }
0x1: {  	(tag) =	ssettag $0x0;
	lr =	simm.s32 $0x1  }
0x2: {  	[smem:$0x3F9D] =	sst lr;
	_ =	strace $0xD0000000  }
0x3: {  	_ = 	snop  }
0x4: {  	_ = 	snop  }
0x5: {  	_ = 	snop  }
0x6: {  	_ = 	snop  }
0x7: {  	_ = 	snop  }
__scs_overlays_trampoline_lowered:
0x8: {  	[smem:$0x3FAC] =	sst s0  }
0x9: {  	[smem:$0x3FAD] =	sst s1  }
0xa: {  	[smem:$0x3FAE] =	sst s2  }
0xb: {  	[smem:$0x3FAF] =	sst s3  }
0xc: {  	[smem:$0x3FB0] =	sst s4  }
0xd: {  	[smem:$0x3FB1] =	sst s5  }
0xe: {  	[smem:$0x3FB2] =	sst s6  }
0xf: {  	[smem:$0x3FB3] =	sst s7  }
0x10: {  	[smem:$0x3FB4] =	sst s8  }
0x11: {  	[smem:$0x3FB5] =	sst s9;
	s0 =	simm.s32 @!p0 $0x0  }
0x12: {  	s1 =	sld [smem:$0x3F9B];
	s0 =	simm.s32 @p0 $0x1  }
0x13: {  	[smem:$0x3FB6] =	sst s0;
	s0 =	simm.s32 @!p1 $0x0  }
0x14: {  	s2 =	sld [smem:$0x3F9A];
	s0 =	simm.s32 @p1 $0x1  }
0x15: {  	[smem:$0x3FB7] =	sst s0;
	s0 =	simm.s32 @!p2 $0x0  }
0x16: {  	s3 =	sld [smem:$0x3FDB];
	s0 =	simm.s32 @p2 $0x1  }
0x17: {  	s4 =	simm.s32 $0x1BF5;
	[smem:$0x3FB9] =	sst s0  }
0x18: {  	s0 =	sld [smem:$0x3F9C];
	_ =	swait.ge [sflag:s4], $0x0  }
0x19: {  	s7 =	sld [smem:$0x3F9D]  }
0x1a: {  	s8 =	sadd.s32 $0xFFFFE003, lr  }
0x1b: {  	s9 =	sadd.s32 $0xFFFFFEF7, lr;
	s5 =	simm.s32 $0xFFFFFFFF;
	p2 =	slt.u32 s8, $0xFFFFF086  }
0x1c: {  	p1 =	slt.u32 s9, $0xF7A;
	s5 =	simm.s32 @!p2 $0x0  }
0x1d: {  	s5 =	simm.s32 @p1 $0x1;
	p0 =	seq.s32 s7, s2  }
0x1e: {  	s7 =	smul.u32 @!p0 $0xF7A, s2;
	p2 =	seq.s32 @!p0 s5, $0x0  }
0x1f: {  	s9 =	smul.u32 $0xF7A, s1;
	s8 =	simm.s32 @!p0 $0x1BF5;
	p2 =	por !p2, p0  }
0x20: {  	[sflag:s8] =	ssyncset.s32 @!p0 $0xFFFFF086;
	s6 =	sadd.s32 @!p0 s3, s7;
	s7 =	simm.s32 @!p0 $0x108  }
0x21: {  	s3 =	sadd.s32 s3, s9;
	s6 =	sadd.s32 @!p0 $0x88, s6;
	s7 =	simm.s32 @p2 $0x1082  }
0x22: {  	[simem:s7], [sflag:s8] =	dma.local @!p0 [hbm:s6], $0xF7A  }
0x23: {  	s9 =	sor.u32 $0xD0000000, s2;
	s6 =	simm.s32 $0x108;
	_ =	swait.ge @!p0 [sflag:s8], $0x0  }
0x24: {  	s3 =	sadd.s32 $0x88, s3;
	s6 =	simm.s32 @!p1 $0x1082;
	[sflag:s4] =	ssyncset.s32 $0xFFFFF086  }
0x25: {  	[simem:s6], [sflag:s4] =	dma.local [hbm:s3], $0xF7A  }
0x26: {  	[smem:$0x3F9D] =	sst s1;
	(tag) =	ssettag s2;
	_ =	strace s9  }
0x27: {  	s1 =	sld [smem:$0x3FAD]  }
0x28: {  	s2 =	sld [smem:$0x3FAE]  }
0x29: {  	s4 =	sld [smem:$0x3FB0]  }
0x2a: {  	p0 =	seq.s32 s5, $0x0;
	s5 =	sld [smem:$0x3FB1]  }
0x2b: {  	s6 =	sld [smem:$0x3FB2]  }
0x2c: {  	s7 =	sld [smem:$0x3FB3]  }
0x2d: {  	s3 =	simm.s32 $0x108;
	s8 =	sld [smem:$0x3FB4]  }
0x2e: {  	s3 =	simm.s32 @!p0 $0x1082;
	s9 =	sld [smem:$0x3FB5]  }
0x2f: {  	lr =	sadd.s32 s0, s3;
	s0 =	sld [smem:$0x3FAC]  }
0x30: {  	s3 =	sld [smem:$0x3FAF]  }
0x31: {  	[smem:$0x3FB8] =	sst s10  }
0x32: {  	s10 =	sld [smem:$0x3FB6];
	_ =	sdelay $0x3  }
0x33: {  	p0 =	seq.s32 s10, $0x1;
	s10 =	sld [smem:$0x3FB8];
	_ =	sdelay $0x3  }
0x34: {  	[smem:$0x3FB8] =	sst s10  }
0x35: {  	s10 =	sld [smem:$0x3FB7];
	_ =	sdelay $0x3  }
0x36: {  	p1 =	seq.s32 s10, $0x1;
	s10 =	sld [smem:$0x3FB8];
	_ =	sdelay $0x3  }
0x37: {  	[smem:$0x3FB8] =	sst s10  }
0x38: {  	s10 =	sld [smem:$0x3FB9]  }
0x39: {  	_ = 	snop;
	(pc) =	sbr.ind lr, $3  }
0x3a: {  	_ = 	snop  }
0x3b: {  	_ = 	snop  }
0x3c: {  	p2 =	seq.s32 s10, $0x1;
	s10 =	sld [smem:$0x3FB8]  }
0x3d: {  	_ =	shalt  }
0x3e: {  	_ =	shalt  }
0x3f: {  	_ =	shalt  }
0x40: {  	_ =	shalt  }
0x41: {  	_ =	shalt  }
0x42: {  	_ =	shalt  }
0x43: {  	_ =	shalt  }
0x44: {  	_ =	shalt  }
0x45: {  	_ =	shalt  }
0x46: {  	_ =	shalt  }
0x47: {  	_ =	shalt  }
0x48: {  	_ =	shalt  }
0x49: {  	_ =	shalt  }
0x4a: {  	_ =	shalt  }
0x4b: {  	_ =	shalt  }
0x4c: {  	_ =	shalt  }
0x4d: {  	_ =	shalt  }
0x4e: {  	_ =	shalt  }
0x4f: {  	_ =	shalt  }
0x50: {  	_ =	shalt  }
0x51: {  	_ =	shalt  }
0x52: {  	_ =	shalt  }
0x53: {  	_ =	shalt  }
0x54: {  	_ =	shalt  }
0x55: {  	_ =	shalt  }
0x56: {  	_ =	shalt  }
0x57: {  	_ =	shalt  }
0x58: {  	_ =	shalt  }
0x59: {  	_ =	shalt  }
0x5a: {  	_ =	shalt  }
0x5b: {  	_ =	shalt  }
0x5c: {  	_ =	shalt  }
0x5d: {  	_ =	shalt  }
0x5e: {  	_ =	shalt  }
0x5f: {  	_ =	shalt  }
0x60: {  	_ =	shalt  }
0x61: {  	_ =	shalt  }
0x62: {  	_ =	shalt  }
0x63: {  	_ =	shalt  }
0x64: {  	_ =	shalt  }
0x65: {  	_ =	shalt  }
0x66: {  	_ =	shalt  }
0x67: {  	_ =	shalt  }
0x68: {  	_ =	shalt  }
0x69: {  	_ =	shalt  }
0x6a: {  	_ =	shalt  }
0x6b: {  	_ =	shalt  }
0x6c: {  	_ =	shalt  }
0x6d: {  	_ =	shalt  }
0x6e: {  	_ =	shalt  }
0x6f: {  	_ =	shalt  }
0x70: {  	_ =	shalt  }
0x71: {  	_ =	shalt  }
0x72: {  	_ =	shalt  }
0x73: {  	_ =	shalt  }
0x74: {  	_ =	shalt  }
0x75: {  	_ =	shalt  }
0x76: {  	_ =	shalt  }
0x77: {  	_ =	shalt  }
0x78: {  	_ =	shalt  }
0x79: {  	_ =	shalt  }
0x7a: {  	_ =	shalt  }
0x7b: {  	_ =	shalt  }
0x7c: {  	_ =	shalt  }
0x7d: {  	_ =	shalt  }
0x7e: {  	_ =	shalt  }
0x7f: {  	_ =	shalt  }
0x80: {  	_ =	shalt  }
0x81: {  	_ =	shalt  }
0x82: {  	_ =	shalt  }
0x83: {  	_ =	shalt  }
0x84: {  	_ =	shalt  }
0x85: {  	_ =	shalt  }
0x86: {  	_ =	shalt  }
0x87: {  	_ =	shalt  }
.Lfunc_end0:
.L_simem_size_0:
called_computation_lowered:
.L_overlay_start_0:
0x88: {  	s2 =	sld [smem:$0x3FD9]  }
0x89: {  	s3 =	sld [smem:$0x3FFE];
	_ =	sdelay $0x1  }
0x8a: {  	s1 =	srdreg.scid  }
0x8b: {  	s0 =	sand.u32 $0x1, s1  }
0x8c: {  	s14 =	sshll.u32 s0, $0xA;
	s2 =	sadd.s32 s3, s2  }
0x8d: {  	s2 =	sadd.s32 s2, s14  }
0x8e: {  	[smem:$0x3FC4] =	sst s2  }
0x8f: {  	_ = 	snop  }
0x90: {  	s2 =	sld [smem:$0x3FD0];
	_ =	sdelay $0x2  }
0x91: {  	s4 =	simm.s32 $0xA;
	s5 =	simm.s32 $0x10;
	s15 =	sld [smem:$0x3FC7]  }
0x92: {  	[smem:s5], [sflag:s4] =	dma.local [hbm:s2], $0x1  }
0x93: {  	_ =	swait.eq [sflag:s4], $0x1  }
0x94: {  	[sflag:s4] =	ssyncset.done $0x0  }
0x95: {  	s16 =	sld [smem:$0x10];
	[sflag:s4] =	ssyncadd.s32 $0xFFFFFFFF  }
0x96: {  	s17 =	sld [smem:$0x11];
	(tm) =	ssettm $0x1  }
0x97: {  	s18 =	sld [smem:$0x3FFB];
	_ =	sdelay $0x3  }
0x98: {  	_ =	strace s18  }
0x99: {  	s5 =	sld [smem:$0x3FFC];
	_ =	sdelay $0x3  }
0x9a: {  	_ =	strace s5  }
0x9b: {  	s5 =	sld [smem:$0x3FFD];
	_ =	sdelay $0x3  }
0x9c: {  	_ =	strace s5  }
0x9d: {  	_ =	strace $0x8FFFFFFF  }
0x9e: {  	s19 =	sld [smem:$0x3FDB];
	_ =	sdelay $0x1  }
0x9f: {  	s6 =	simm.s32 $_scs_section_size  }
0xa0: {  	s7 =	simm.s32 $_size__tile_overlayer_lowered;
	s8 =	simm.s32 $_tile_overlayer_lowered  }
0xa1: {  	s22 =	simm.s32 $0x1BFF;
	s21 =	sshll.u32 s8, $0x1;
	s5 =	sadd.s32 s6, s19  }
0xa2: {  	s9 =	simm.s32 $0x0;
	s20 =	sshll.u32 s7, $0x1;
	s7 =	sadd.s32 s21, s5  }
0xa3: {  	[timem:s9], [sflag:s22] =	dma.local [hbm:s7], s20  }
0xa4: {  	_ =	swait.ge [sflag:s22], s20  }
0xa5: {  	s6 =	ssub.s32 $0x0, s20;
	[sflag:s22] =	ssyncset.done $0x0  }
0xa6: {  	[sflag:s22] =	ssyncadd.s32 s6;
	_ =	sdelay $0x1  }
0xa7: {  	s23 =	simm.s32 $0x1B8B  }
0xa8: {  	_ =	swait.ge [sflag:s23], $0x1  }
0xa9: {  	[sflag:s23] =	ssyncset.done $0x0  }
0xaa: {  	s25 =	simm.s32 $0x1B8E;
	s24 =	sld [smem:$0x3FFE];
	[sflag:s23] =	ssyncadd.s32 $0xFFFFFFFF  }
0xab: {  	s26 =	simm.s32 $execute0_lowered;
	[smem:$0x3FD2] =	sst s25  }
0xac: {  	s7 =	sshll.u32 s26, $0x1;
	_ =	strace $0x80000046;
	[dreg:$0x1] =	wrdreg $0xFFFFFFFF  }
0xad: {  	s28 =	simm.s32 $_size_execute0_lowered;
	s5 =	sadd.s32 s5, s7;
	[dreg:$0x0] =	wrdreg $0x0  }
0xae: {  	s7 =	sshll.u32 s28, $0x1;
	[dreg:$0x2] =	wrdreg s5  }
0xaf: {  	[dreg:$0x3] =	wrdreg s7  }
0xb0: {  	[dreg:$0x4] =	wrdreg $0xC0  }
0xb1: {  	_ =	task [dreg:s9], $0x5FFFF  }
0xb2: {  	[dreg:$0x1] =	wrdreg $0xFFFFFFFF  }
0xb3: {  	[dreg:$0x0] =	wrdreg $0x60  }
0xb4: {  	[dreg:$0x2] =	wrdreg s24  }
0xb5: {  	[dreg:$0x3] =	wrdreg s16  }
0xb6: {  	[dreg:$0x4] =	wrdreg s15  }
0xb7: {  	[dreg:$0x5] =	wrdreg s17  }
0xb8: {  	[dreg:$0x6] =	wrdreg $0x142F00  }
0xb9: {  	[dreg:$0x7] =	wrdreg $0x9  }
0xba: {  	_ =	task.clear_ibuf [dreg:s9], $0x8FFFF;
	_ =	strace $0x90000046  }
0xbb: {  	s29 =	simm.s32 $0x9;
	_ =	strace $0x80000048  }
0xbc: {  	_ =	swait.ge [sflag:s29], $0x1  }
0xbd: {  	[sflag:s29] =	ssyncadd.s32 $0xFFFFFFFF  }
0xbe: {  	_ =	strace $0x90000048  }
0xbf: {  	_ =	sfence  }
0xc0: {  	s30 =	sld [smem:$0x0];
	_ =	sdelay $0x2  }
0xc1: {  	s31 =	sshll.u32 s1, $0xD;
	s1 =	sshrl.u32 s1, $0x2  }
0xc2: {  	s3 =	sand.u32 $0x4000, s31;
	s1 =	sadd.s32 s1, s30  }
0xc3: {  	s0 =	sor.u32 s3, s0;
	s1 =	sshll.u32 s1, $0x11  }
0xc4: {  	s0 =	sor.u32 s1, s0  }
0xc5: {  	s0 =	sadd.s32 $0x8F2B, s0  }
0xc6: {  	[sflag:s0] =	ssyncadd.remote.s32 $0x1  }
0xc7: {  	_ =	sfence.sel $0xFFFF  }
0xc8: {  	[dreg:$0x0] =	wrdreg $0xFFFFFFFF;
	(pc) =	sbr.abs _section_cstart, $3  }
0xc9: {  	[dreg:$0x1] =	wrdreg $0xFFFFFFFF  }
0xca: {  	_ =	task.clear_ibuf [dreg:s9], $0x2FFFF;
	_ =	strace $0x9FFFFFFF  }
0xcb: {  	(tm) =	ssettm $0x7FFFFFFF  }
tec
execute0_lowered:
.L_overlay_start_1:
0x0: {  	(tag) =	ssettag $0x1  }
0x1: {  	s7 =	rddreg [dreg:$0x0]  }
0x2: {  	s1 =	rddreg [dreg:$0x1]  }
0x3: {  	s2 =	rddreg [dreg:$0x2]  }
0x4: {  	s17 =	rddreg [dreg:$0x3]  }
0x5: {  	s3 =	rddreg [dreg:$0x4]  }
0x6: {  	s0 =	rddreg [dreg:$0x5]  }
0x7: {  	s5 =	simm.s32 $0x0;
	s6 =	srdreg.scid;
	s4 =	stileid.u32  }
0x8: {  	s12 =	simm.s32 $0x14040;
	s13 =	simm.s32 $0x14050;
	s14 =	simm.s32 $0x14090  }
0x9: {  	s15 =	simm.s32 $0x140D0;
	s16 =	simm.s32 $0x140F0;
	s20 =	simm.s32 $0x10000  }
0xa: {  	s21 =	simm.s32 $0x12000;
	s22 =	simm.s32 $0x0;
	[smem:$0x7FF] =	sst s5  }
0xb: {  	s9 =	sand.u32 $0x1, s6;
	s28 =	sshll.u32 s4, $0xD;
	s8 =	sshll.u32 s4, $0xB  }
0xc: {  	s6 =	sadd.s32 $0x20E00, s7;
	s31 =	sshll.u32 s4, $0x5;
	_ =	strace $0x80000047  }
0xd: {  	s10 =	sshll.u32 s9, $0xA;
	s11 =	sadd.s32 s28, s7;
	s29 =	ssub.s32 $0x2, s9  }
0xe: {  	v0 =	vlaneseq.u32;
	v5 =	vimm.f32 $0.0e+00;
	v6 =	vimm.f32 $2.000000030e-01;
	s9 =	sshll.u32 s9, $0x9;
	s18 =	sor.u32 s10, s8;
	s30 =	sshrl.u32 s29, $0x1  }
0xf: {  	v7 =	vimm.f32 $4.000000060e-01;
	v8 =	vimm.f32 $6.000000240e-01;
	v1 =	vmul.u32 $0x4, v0;
	s8 =	sadd.s32 s31, s3;
	s10 =	sadd.s32 s18, s7;
	s19 =	ssub.s32 s29, s30  }
0x10: {  	v9 =	vimm.f32 $1.000000000e+00;
	v10 =	vimm.f32 $8.000000110e-01;
	v11 =	vimm.f32 $1.000000010e-01;
	s7 =	sadd.s32 $0xE00, s11;
	s11 =	simm.s32 $0x14000;
	s17 =	sadd.s32 s17, s18  }
0x11: {  	v2 =	vor.u32 $0x1, v1;
	v3 =	vor.u32 $0x2, v1;
	v4 =	vor.u32 $0x3, v1;
	s10 =	sadd.s32 $0x21000, s10;
	s18 =	smax.u32 s19, $0x1;
	s19 =	simm.s32 $0x1  }
.LBB2_1:
0x12: {  	[tilespmem:s5], [sflag:$0x1] =	stream.linear.gather [hbm4b:s7+s5], $0x10000, $0x38;
	[tilespmem:$0x14310] =	vst v63  }
0x13: {  	_ =	swait.ge [sflag:s19], $0x10000  }
0x14: {  	[sflag:s19] =	ssyncset.done $0x0  }
0x15: {  	[sflag:s19] =	ssyncadd.s32 $0xFFFF0000  }
0x16: {  	[tilespmem:s11], [sflag:$0x1] =	stream.linear.gather [hbm4b:s1+s5], $0x40, $0x38;
	[tilespmem:$0x14310] =	vst v63  }
0x17: {  	_ =	swait.ge [sflag:s19], $0x40  }
0x18: {  	[sflag:s19] =	ssyncset.done $0x0  }
0x19: {  	[sflag:s19] =	ssyncadd.s32 $0xFFFFFFC0  }
0x1a: {  	[tilespmem:s12], [sflag:$0x1] =	stream.linear.gather [hbm4b:s2+s5], $0x10, $0x38;
	[tilespmem:$0x14310] =	vst v63  }
0x1b: {  	_ =	swait.ge [sflag:s19], $0x10  }
0x1c: {  	[sflag:s19] =	ssyncset.done $0x0  }
0x1d: {  	[sflag:s19] =	ssyncadd.s32 $0xFFFFFFF0  }
0x1e: {  	[tilespmem:s13], [sflag:$0x1] =	stream.linear.gather [hbm4b:s6+s5], $0x40, $0x38;
	[tilespmem:$0x14310] =	vst v63  }
0x1f: {  	_ =	swait.ge [sflag:s19], $0x40  }
0x20: {  	[sflag:s19] =	ssyncset.done $0x0  }
0x21: {  	[sflag:s19] =	ssyncadd.s32 $0xFFFFFFC0  }
0x22: {  	v12 =	vld.idx.msk [tilespmem:v1+s11+$0x0], $0xffff  }
0x23: {  	v13 =	vld.idx.msk [tilespmem:v2+s11+$0x0], $0xffff  }
0x24: {  	v14 =	vld.idx.msk [tilespmem:v3+s11+$0x0], $0xffff  }
0x25: {  	v16 =	vld.idx.msk [tilespmem:v1+s13+$0x0], $0xffff  }
0x26: {  	v17 =	vld.idx.msk [tilespmem:v2+s13+$0x0], $0xffff  }
0x27: {  	v18 =	vld.idx.msk [tilespmem:v3+s13+$0x0], $0xffff  }
0x28: {  	v19 =	vld.idx.msk [tilespmem:v4+s13+$0x0], $0xffff  }
0x29: {  	v15 =	vld.idx.msk [tilespmem:v4+s11+$0x0], $0xffff;
	[tilespmem:$0x14090] =	vst v5  }
0x2a: {  	[tilespmem:$0x140A0] =	vst v5  }
0x2b: {  	[tilespmem:$0x140B0] =	vst v5  }
0x2c: {  	[tilespmem:$0x140C0] =	vst v5  }
0x2d: {  	v20 =	vld [tilespmem:$0x14040];
	[tilespmem:v16+s14+$0x0] =	vst.idx.msk $0xffff, v9  }
0x2e: {  	[tilespmem:v17+s14+$0x0] =	vst.idx.msk $0xffff, v9  }
0x2f: {  	[tilespmem:v18+s14+$0x0] =	vst.idx.msk $0xffff, v9  }
0x30: {  	[tilespmem:v19+s14+$0x0] =	vst.idx.msk $0xffff, v9  }
0x31: {  	v21 =	vld [tilespmem:$0x14090]  }
0x32: {  	v23 =	vld [tilespmem:$0x140A0]  }
0x33: {  	v26 =	vld [tilespmem:$0x140B0]  }
0x34: {  	s24 =	simm.s32 $0x40;
	v27 =	vld [tilespmem:$0x140C0]  }
0x35: {  	v28 =	vld [tilespmem:s24+$0xFFFFFFD0]  }
0x36: {  	v22 =	vld [tilespmem:s24+$0x0]  }
0x37: {  	v29 =	vld [tilespmem:s24+$0x30]  }
0x38: {  	v25 =	vld [tilespmem:s24+$0xFFFFFFF0]  }
0x39: {  	v35 =	vimm.f32 $3.402823470e+38;
	v24 =	vimm.f32 $-3.402823470e+38;
	v34 =	vld [tilespmem:s24+$0x10]  }
0x3a: {  	v33 =	vimm.f32 $3.402823470e+38;
	v30 =	vimm.f32 $-3.402823470e+38;
	vm1 =	vgt.f32 v27, $0.0e+00  }
0x3b: {  	v31 =	vld [tilespmem:s24+$0x20];
	vm0 =	vgt.f32 v26, $0.0e+00;
	vm3 =	vgt.f32 v23, $0.0e+00;
	vm2 =	vgt.f32 v21, $0.0e+00  }
0x3c: {  	v36 =	vld [tilespmem:s24+$0xFFFFFFC0];
	v26 =	vnsel vm3, $0x7F7FFFFF, v28;
	v23 =	vnsel vm3, $0xFF7FFFFF, v28;
	v21 =	vnsel vm2, $0x7F7FFFFF, v22  }
0x3d: {  	v32 =	vnsel vm1, $0xFF7FFFFF, v29;
	v38 =	vnsel vm1, $0x7F7FFFFF, v25;
	v27 =	vmax.f32 v24, v23  }
0x3e: {  	v28 =	vld [tilespmem:s24+$0xFFFFFFE0];
	v23 =	vnsel vm1, $0x7F7FFFFF, v29;
	v37 =	vmin.f32 v35, v26;
	v26 =	vnsel vm3, $0xFF7FFFFF, v34  }
0x3f: {  	s23 =	simm.s32 $0x0;
	s24 =	simm.s32 $0xC0;
	v29 =	vimm.f32 $-3.402823470e+38;
	v26 =	vmax.f32 v27, v26;
	v27 =	vimm.f32 $3.402823470e+38  }
.LBB2_2:
0x40: {  	v39 =	vld [tilespmem:s24+$0xFFFFFFD0];
	s23 =	sadd.s32 $0x2, s23;
	v34 =	vnsel vm3, $0x7F7FFFFF, v34;
	v40 =	vnsel vm0, $0x7F7FFFFF, v31;
	v41 =	vnsel vm0, $0xFF7FFFFF, v31  }
0x41: {  	v43 =	vnsel vm2, $0xFF7FFFFF, v22;
	p0 =	slt.u32 s23, $0x3FE;
	v42 =	vnsel vm2, $0x7F7FFFFF, v36;
	v37 =	vmin.f32 v37, v34;
	v22 =	vld [tilespmem:s24+$0x0]  }
0x42: {  	v35 =	vmin.f32 v35, v38;
	v25 =	vnsel vm1, $0xFF7FFFFF, v25;
	v34 =	vnsel vm2, $0xFF7FFFFF, v36;
	v31 =	vld [tilespmem:s24+$0x20]  }
0x43: {  	v44 =	vnsel vm0, $0x7F7FFFFF, v28;
	v25 =	vmax.f32 v29, v25;
	v24 =	vmax.f32 v24, v34;
	v38 =	vld [tilespmem:s24+$0x30]  }
0x44: {  	v28 =	vnsel vm0, $0xFF7FFFFF, v28;
	v29 =	vmax.f32 v25, v32;
	v24 =	vmax.f32 v24, v43;
	v34 =	vld [tilespmem:s24+$0x10]  }
0x45: {  	v30 =	vmax.f32 v30, v28;
	v32 =	vmin.f32 v33, v42;
	v25 =	vld [tilespmem:s24+$0xFFFFFFF0];
	v43 =	vnsel vm3, $0x7F7FFFFF, v39  }
.Ltmp0:
0x46: {  	v30 =	vmax.f32 v30, v41;
	v33 =	vnsel vm3, $0xFF7FFFFF, v39;
	v28 =	vld [tilespmem:s24+$0xFFFFFFE0];
	v39 =	vnsel vm2, $0x7F7FFFFF, v22;
	(pc) =	sbr.rel @p0 .LBB2_2-.Ltmp0, $4  }
0x47: {  	v35 =	vmin.f32 v35, v23;
	v26 =	vmax.f32 v26, v33;
	v33 =	vmin.f32 v32, v21;
	v36 =	vld [tilespmem:s24+$0xFFFFFFC0];
	v21 =	vmovc v39  }
0x48: {  	v27 =	vmin.f32 v27, v44;
	v23 =	vnsel vm1, $0x7F7FFFFF, v38;
	v32 =	vnsel vm1, $0xFF7FFFFF, v38  }
0x49: {  	v27 =	vmin.f32 v27, v40;
	v37 =	vmin.f32 v37, v43;
	v39 =	vnsel vm3, $0xFF7FFFFF, v34  }
0x4a: {  	s24 =	sadd.s32 $0x80, s24;
	v38 =	vnsel vm1, $0x7F7FFFFF, v25;
	v26 =	vmax.f32 v26, v39  }
0x4b: {  	v34 =	vnsel vm3, $0x7F7FFFFF, v34;
	v39 =	vnsel vm0, $0x7F7FFFFF, v31;
	v31 =	vnsel vm0, $0xFF7FFFFF, v31  }
0x4c: {  	v22 =	vnsel vm2, $0xFF7FFFFF, v22;
	v35 =	vmin.f32 v35, v38;
	v25 =	vnsel vm1, $0xFF7FFFFF, v25  }
0x4d: {  	v54 =	vnsel vm0, $0x7F7FFFFF, v28;
	v28 =	vnsel vm0, $0xFF7FFFFF, v28;
	v40 =	vnsel vm2, $0x7F7FFFFF, v36  }
0x4e: {  	v34 =	vmin.f32 v37, v34;
	v53 =	vnsel vm2, $0xFF7FFFFF, v36;
	v25 =	vmax.f32 v29, v25  }
0x4f: {  	v28 =	vmax.f32 v30, v28;
	v27 =	vmin.f32 v27, v54;
	v24 =	vmax.f32 v24, v53  }
0x50: {  	v22 =	vmax.f32 v24, v22;
	v24 =	vmax.f32 v25, v32;
	v25 =	vmin.f32 v33, v40  }
0x51: {  	v23 =	vmin.f32 v35, v23;
	v21 =	vmin.f32 v25, v21;
	v25 =	vmin.f32 v27, v39  }
0x52: {  	v27 =	vmax.f32 v28, v31;
	v21 =	vmin.f32 v21, v34;
	v23 =	vmin.f32 v25, v23  }
0x53: {  	v22 =	vmax.f32 v22, v26;
	v21 =	vmin.f32 v21, v23;
	v23 =	vmax.f32 v27, v24  }
0x54: {  	v22 =	vmax.f32 v22, v23;
	[tilespmem:$0x140D0] =	vst v21  }
0x55: {  	[tilespmem:$0x140E0] =	vst v22  }
0x56: {  	[spmem:s8] =	stream.linear.scatter [tilespmem:s15], [sflag:$0x1], $0x20, $0x38;
	[tilespmem:$0x14310] =	vst v63  }
0x57: {  	_ =	swait.ge [sflag:s19], $0x20  }
0x58: {  	[sflag:s19] =	ssyncset.done $0x0  }
0x59: {  	[sflag:s19] =	ssyncadd.s32 $0xFFFFFFE0  }
0x5a: {  	[bflag:$0x0] =	sbarrier.arrive $0xFFFF  }
0x5b: {  	[tilespmem:s16], [sflag:$0x1] =	stream.linear.gather [spmem:s3], $0x200, $0x38;
	[tilespmem:$0x14310] =	vst v63  }
0x5c: {  	_ =	swait.ge [sflag:s19], $0x200  }
0x5d: {  	[sflag:s19] =	ssyncset.done $0x0  }
0x5e: {  	[sflag:s19] =	ssyncadd.s32 $0xFFFFFE00  }
0x5f: {  	v21 =	vld [tilespmem:$0x140F0]  }
0x60: {  	v22 =	vld [tilespmem:$0x14100]  }
0x61: {  	v23 =	vld [tilespmem:$0x14110]  }
0x62: {  	v24 =	vld [tilespmem:$0x14120]  }
0x63: {  	v25 =	vld [tilespmem:$0x14130]  }
0x64: {  	v26 =	vld [tilespmem:$0x14140]  }
0x65: {  	v27 =	vld [tilespmem:$0x14150]  }
0x66: {  	v28 =	vld [tilespmem:$0x14160]  }
0x67: {  	v29 =	vld [tilespmem:$0x14170]  }
0x68: {  	v30 =	vld [tilespmem:$0x14180]  }
0x69: {  	v31 =	vld [tilespmem:$0x14190]  }
0x6a: {  	v55 =	vld [tilespmem:$0x141A0]  }
0x6b: {  	v56 =	vld [tilespmem:$0x141B0]  }
0x6c: {  	v57 =	vld [tilespmem:$0x141C0]  }
0x6d: {  	v58 =	vld [tilespmem:$0x141D0]  }
0x6e: {  	v59 =	vld [tilespmem:$0x141E0]  }
0x6f: {  	v60 =	vld [tilespmem:$0x141F0]  }
0x70: {  	v61 =	vld [tilespmem:$0x14200]  }
0x71: {  	v62 =	vld [tilespmem:$0x14210]  }
0x72: {  	v63 =	vld [tilespmem:$0x14220]  }
0x73: {  	v41 =	vld [tilespmem:$0x14230]  }
0x74: {  	v44 =	vld [tilespmem:$0x142D0];
	v21 =	vmin.f32 v21, v23  }
0x75: {  	v23 =	vld [tilespmem:$0x14240];
	v22 =	vmax.f32 v22, v24;
	v21 =	vmin.f32 v21, v25  }
0x76: {  	v24 =	vld [tilespmem:$0x14250];
	v22 =	vmax.f32 v22, v26;
	v21 =	vmin.f32 v21, v27  }
0x77: {  	v25 =	vld [tilespmem:$0x14260];
	v22 =	vmax.f32 v22, v28;
	v21 =	vmin.f32 v21, v29  }
0x78: {  	v26 =	vld [tilespmem:$0x14270];
	v22 =	vmax.f32 v22, v30;
	v21 =	vmin.f32 v21, v31  }
0x79: {  	v27 =	vld [tilespmem:$0x14280];
	v22 =	vmax.f32 v22, v55;
	v21 =	vmin.f32 v21, v56  }
0x7a: {  	v28 =	vld [tilespmem:$0x14290];
	v22 =	vmax.f32 v22, v57;
	v21 =	vmin.f32 v21, v58  }
0x7b: {  	v29 =	vld [tilespmem:$0x142A0];
	v22 =	vmax.f32 v22, v59;
	v21 =	vmin.f32 v21, v60  }
0x7c: {  	v30 =	vld [tilespmem:$0x142B0];
	v22 =	vmax.f32 v22, v61;
	v21 =	vmin.f32 v21, v62  }
0x7d: {  	v31 =	vld [tilespmem:$0x142C0];
	v22 =	vmax.f32 v22, v63;
	v21 =	vmin.f32 v21, v41  }
0x7e: {  	v22 =	vmax.f32 v22, v23;
	v23 =	vld [tilespmem:$0x142E0];
	v21 =	vmin.f32 v21, v24  }
0x7f: {  	v22 =	vmax.f32 v22, v25;
	v21 =	vmin.f32 v21, v26  }
0x80: {  	v22 =	vmax.f32 v22, v27;
	v21 =	vmin.f32 v21, v28  }
0x81: {  	v22 =	vmax.f32 v22, v29;
	v21 =	vmin.f32 v21, v30  }
0x82: {  	v22 =	vmax.f32 v22, v31;
	v21 =	vmin.f32 v21, v44  }
0x83: {  	v22 =	vmax.f32 v22, v23;
	(xrf0) =	vmin.scan.msk.f32 $0xffff, v21  }
0x84: {  	(xrf0) =	vmax.scan.msk.f32 $0xffff, v22;
	_ =	sdelay $0x4  }
0x85: {  	v21, _, _ =	vpop (xrf0)  }
0x86: {  	(v2sf) =	vpush v21, $0xF;
	v21, _, _ =	vpop (xrf0)  }
0x87: {  	(v2sf) =	vpush v21, $0xF;
	_ =	sdelay $0x6  }
0x88: {  	s23 =	sadd.s32 $0xFFFFFFFC, s9  }
0x89: {  	s23 =	sshll.u32 s23, $0x6  }
0x8a: {  	s24 =	sadd.s32 $0x1C0, s23  }
0x8b: {  	v24 =	vadd.s32 s24, v17  }
0x8c: {  	v23 =	vadd.f32 v15, v13;
	v22 =	vadd.f32 v14, v12;
	v21 =	vadd.s32 s24, v16  }
0x8d: {  	v25 =	vadd.s32 s24, v18  }
0x8e: {  	v26 =	vadd.s32 s24, v19;
	v22 =	vadd.f32 v23, v22  }
0x8f: {  	s25 =	spop (v2sf)  }
0x90: {  	v29 =	vld.idx.msk [tilespmem:v24+s5+$0x0], $0xffff;
	v27 =	vmax.f32 v22, $1.000000000e+00;
	s26 =	spop (v2sf)  }
0x91: {  	(erf) = vrcp.f32 v27;
	v28 =	vld.idx.msk [tilespmem:v21+s5+$0x0], $0xffff;
	p0 =	sge.f32 s25, $-9.999999970e-07;
	s25 =	sadd.s32 $0x100, s23;
	p1 =	sle.f32 s26, $1.000000950e+00  }
0x92: {  	v25 =	vld.idx.msk [tilespmem:v25+s5+$0x0], $0xffff;
	v27 =	vadd.s32 s25, v16;
	s26 =	sadd.s32 $0x140, s23;
	v30 =	vadd.s32 s25, v17;
	v31 =	vadd.s32 s25, v18  }
0x93: {  	v26 =	vld.idx.msk [tilespmem:v26+s5+$0x0], $0xffff;
	s23 =	sadd.s32 $0x180, s23;
	v46 =	vadd.s32 s26, v16;
	v47 =	vadd.s32 s26, v17;
	v48 =	vadd.s32 s26, v18;
	p0 =	por !p0, !p1  }
0x94: {  	v49 =	vadd.s32 s26, v19;
	v50 =	vadd.s32 s23, v16;
	v51 =	vadd.s32 s23, v17;
	p0 =	por !p0, !p0  }
0x95: {  	v52 =	vadd.s32 s23, v18;
	v21 =	vpsel !p0, $0xBF57747E, v6;
	v24 =	vpsel !p0, $0x3F57747F, v10  }
0x96: {  	v22 =	vpsel !p0, $0xBE81B6B6, v7;
	v23 =	vpsel !p0, $0x3E81B6B6, v8;
	vm1 =	vge.f32 v28, v24  }
0x97: {  	vm2 =	vge.f32 v29, v24;
	vm3 =	vge.f32 v25, v24;
	vm4 =	vge.f32 v28, v23  }
0x98: {  	vm0 =	vge.f32 v26, v24;
	vm5 =	vge.f32 v29, v23;
	vm6 =	vge.f32 v28, v21  }
0x99: {  	vm7 =	vge.f32 v29, v21;
	v54 =	vsel vm6, $0x3E99999A, v11;
	vm6 =	vge.f32 v25, v21  }
0x9a: {  	v42 =	vsel vm7, $0x3E99999A, v11;
	vm7 =	vge.f32 v28, v22;
	v28 =	vsel vm6, $0x3E99999A, v11  }
0x9b: {  	v27 =	vld.idx.msk [tilespmem:v27+s5+$0x0], $0xffff;
	vm6 =	vge.f32 v29, v22;
	v29 =	vsel vm7, $0x3F000000, v54;
	vm7 =	vge.f32 v26, v21  }
0x9c: {  	v30 =	vld.idx.msk [tilespmem:v30+s5+$0x0], $0xffff;
	v55 =	vsel vm6, $0x3F000000, v42;
	vm6 =	vge.f32 v25, v23;
	v56 =	vsel vm7, $0x3E99999A, v11  }
0x9d: {  	v31 =	vld.idx.msk [tilespmem:v31+s5+$0x0], $0xffff;
	vm7 =	vge.f32 v25, v22;
	v25 =	vsel vm4, $0x3F333333, v29;
	vm4 =	vge.f32 v26, v22  }
0x9e: {  	v57 =	vld.idx.msk [tilespmem:v46+s5+$0x0], $0xffff;
	v28 =	vsel vm7, $0x3F000000, v28;
	vm7 =	vge.f32 v26, v23;
	v26 =	vsel vm4, $0x3F000000, v56  }
0x9f: {  	v34 =	vld.idx.msk [tilespmem:v47+s5+$0x0], $0xffff;
	v58 =	vsel vm5, $0x3F333333, v55;
	v25 =	vsel vm1, $0x3F666667, v25;
	v28 =	vsel vm6, $0x3F333333, v28  }
0xa0: {  	v35 =	vld.idx.msk [tilespmem:v48+s5+$0x0], $0xffff;
	v26 =	vsel vm7, $0x3F333333, v26;
	v33 =	vsel vm2, $0x3F666667, v58;
	v28 =	vsel vm3, $0x3F666667, v28  }
0xa1: {  	v36 =	vld.idx.msk [tilespmem:v49+s5+$0x0], $0xffff;
	v25 =	vmul.f32 v25, v12;
	v26 =	vsel vm0, $0x3F666667, v26;
	v28 =	vmul.f32 v28, v14  }
0xa2: {  	v38 =	vld.idx.msk [tilespmem:v51+s5+$0x0], $0xffff;
	v33 =	vmul.f32 v33, v13;
	v26 =	vmul.f32 v26, v15  }
0xa3: {  	v45 =	vadd.s32 s25, v19;
	v53 =	vadd.s32 s23, v19;
	v59 =	vld.idx.msk [tilespmem:v52+s5+$0x0], $0xffff;
	v25 =	vadd.f32 v28, v25  }
0xa4: {  	v37 =	vld.idx.msk [tilespmem:v50+s5+$0x0], $0xffff;
	vm1 =	vge.f32 v30, v21;
	vm2 =	vge.f32 v31, v21;
	v26 =	vadd.f32 v26, v33  }
0xa5: {  	vm0 =	vge.f32 v27, v21;
	vm4 =	vge.f32 v57, v21;
	vm5 =	vge.f32 v34, v21  }
0xa6: {  	vm6 =	vge.f32 v35, v21;
	vm7 =	vge.f32 v36, v21;
	v26 =	vadd.f32 v26, v25  }
0xa7: {  	v62 =	vsel vm1, $0x3E99999A, v11;
	vm1 =	vge.f32 v38, v21;
	v63 =	vsel vm2, $0x3E99999A, v11;
	v25 =	vpop (erf)  }
0xa8: {  	v29 =	vld.idx.msk [tilespmem:v45+s5+$0x0], $0xffff;
	vm2 =	vge.f32 v59, v21;
	v61 =	vsel vm0, $0x3E99999A, v11;
	v26 =	vmul.f32 v26, v25  }
0xa9: {  	vm0 =	vge.f32 v37, v21;
	v43 =	vsel vm4, $0x3E99999A, v11;
	v44 =	vsel vm5, $0x3E99999A, v11  }
0xaa: {  	v45 =	vsel vm6, $0x3E99999A, v11;
	v46 =	vsel vm7, $0x3E99999A, v11;
	v28 =	vadd.f32 v26, v20  }
0xab: {  	v60 =	vld.idx.msk [tilespmem:v53+s5+$0x0], $0xffff;
	v48 =	vsel vm1, $0x3E99999A, v11;
	v49 =	vsel vm2, $0x3E99999A, v11;
	vm1 =	vge.f32 v30, v22  }
0xac: {  	vm2 =	vge.f32 v31, v22;
	vm4 =	vge.f32 v57, v22;
	vm5 =	vge.f32 v34, v22;
	(xrf0) =	vmax.scan.msk.f32 $0xffff, v28  }
0xad: {  	vm6 =	vge.f32 v35, v22;
	vm7 =	vge.f32 v36, v22;
	vm3 =	vge.f32 v29, v21  }
0xae: {  	v47 =	vsel vm0, $0x3E99999A, v11;
	vm0 =	vge.f32 v27, v22;
	v41 =	vsel vm1, $0x3F000000, v62  }
0xaf: {  	vm1 =	vge.f32 v38, v22;
	v42 =	vsel vm2, $0x3F000000, v63;
	vm2 =	vge.f32 v59, v22  }
0xb0: {  	v43 =	vsel vm4, $0x3F000000, v43;
	v44 =	vsel vm5, $0x3F000000, v44;
	v45 =	vsel vm6, $0x3F000000, v45  }
0xb1: {  	v46 =	vsel vm7, $0x3F000000, v46;
	v26 =	vsel vm3, $0x3E99999A, v11;
	vm3 =	vge.f32 v60, v21  }
0xb2: {  	vm4 =	vge.f32 v29, v23;
	v50 =	vsel vm3, $0x3E99999A, v11;
	vm3 =	vge.f32 v29, v22;
	v51, _, _ =	vpop (xrf0)  }
0xb3: {  	vm5 =	vge.f32 v57, v23;
	v52 =	vsel vm3, $0x3F000000, v26;
	v26 =	vbroadcast v51, $0xF  }
0xb4: {  	vm6 =	vge.f32 v34, v23;
	v40 =	vsel vm0, $0x3F000000, v61;
	vm0 =	vge.f32 v37, v22  }
0xb5: {  	vm7 =	vge.f32 v35, v23;
	v47 =	vsel vm0, $0x3F000000, v47;
	vm0 =	veq.f32 v28, v26  }
0xb6: {  	v48 =	vsel vm1, $0x3F000000, v48;
	vm1 =	vge.f32 v27, v23;
	v26 =	vmctz.xlane vm0  }
0xb7: {  	v49 =	vsel vm2, $0x3F000000, v49;
	vm2 =	vge.f32 v30, v23;
	v43 =	vsel vm5, $0x3F333333, v43  }
0xb8: {  	vm5 =	vge.f32 v60, v23;
	v44 =	vsel vm6, $0x3F333333, v44;
	vm0 =	veq.s32 v26, v0  }
0xb9: {  	v45 =	vsel vm7, $0x3F333333, v45;
	vm6 =	vge.f32 v34, v24;
	v26 =	vsel vm0, $0xFF61B1E6, v28  }
0xba: {  	vm7 =	vge.f32 v35, v24;
	v40 =	vsel vm1, $0x3F333333, v40;
	vm1 =	vge.f32 v36, v23;
	(xrf0) =	vmax.scan.msk.f32 $0xffff, v26  }
0xbb: {  	v41 =	vsel vm2, $0x3F333333, v41;
	vm2 =	vge.f32 v37, v23;
	v34 =	vsel vm6, $0x3F666667, v44  }
0xbc: {  	v35 =	vsel vm7, $0x3F666667, v45;
	v47 =	vsel vm2, $0x3F333333, v47;
	vm2 =	vge.f32 v30, v24  }
0xbd: {  	v46 =	vsel vm1, $0x3F333333, v46;
	v30 =	vsel vm2, $0x3F666667, v41;
	vm2 =	vge.f32 v37, v24  }
0xbe: {  	vm1 =	vge.f32 v27, v24;
	v34 =	vmul.f32 v34, v13;
	v37 =	vsel vm2, $0x3F666667, v47  }
0xbf: {  	v30 =	vmul.f32 v30, v13;
	v54 =	vmul.f32 v37, v12;
	vm3 =	vge.f32 v60, v22  }
0xc0: {  	v50 =	vsel vm3, $0x3F000000, v50;
	vm3 =	vge.f32 v31, v23;
	(v2sf) =	vpush v51, $0xF;
	v27, _, _ =	vpop (xrf0)  }
0xc1: {  	v52 =	vsel vm4, $0x3F333333, v52;
	vm4 =	vge.f32 v59, v23;
	(v2sf) =	vpush v27, $0xF  }
0xc2: {  	v42 =	vsel vm3, $0x3F333333, v42;
	vm3 =	vge.f32 v38, v23;
	v49 =	vsel vm4, $0x3F333333, v49  }
0xc3: {  	v50 =	vsel vm5, $0x3F333333, v50;
	vm4 =	vge.f32 v29, v24;
	vm5 =	vge.f32 v57, v24  }
0xc4: {  	v29 =	vsel vm1, $0x3F666667, v40;
	v48 =	vsel vm3, $0x3F333333, v48;
	vm3 =	vge.f32 v31, v24  }
0xc5: {  	vm1 =	vge.f32 v36, v24;
	v43 =	vsel vm5, $0x3F666667, v43;
	v31 =	vsel vm3, $0x3F666667, v42  }
0xc6: {  	v29 =	vmul.f32 v29, v12;
	v42 =	vsel vm4, $0x3F666667, v52;
	v31 =	vmul.f32 v31, v14  }
0xc7: {  	vm5 =	vge.f32 v60, v24;
	v36 =	vsel vm1, $0x3F666667, v46;
	v32 =	vmul.f32 v42, v15  }
0xc8: {  	v33 =	vmul.f32 v43, v12;
	v29 =	vadd.f32 v31, v29;
	v31 =	vmul.f32 v35, v14  }
0xc9: {  	vm3 =	vge.f32 v38, v24;
	v30 =	vadd.f32 v32, v30;
	v51 =	vmul.f32 v36, v15  }
0xca: {  	vm4 =	vge.f32 v59, v24;
	v55 =	vsel vm5, $0x3F666667, v50;
	v31 =	vadd.f32 v31, v33  }
0xcb: {  	v52 =	vsel vm3, $0x3F666667, v48;
	v29 =	vadd.f32 v30, v29;
	v30 =	vadd.f32 v51, v34  }
0xcc: {  	v53 =	vsel vm4, $0x3F666667, v49;
	v56 =	vmul.f32 v52, v13;
	v32 =	vmul.f32 v55, v15  }
0xcd: {  	v57 =	vmul.f32 v53, v14;
	v29 =	vmul.f32 v29, v25;
	v30 =	vadd.f32 v30, v31  }
0xce: {  	v32 =	vadd.f32 v32, v56  }
0xcf: {  	v31 =	vadd.f32 v57, v54;
	v33 =	vadd.f32 v29, v20;
	v29 =	vmul.f32 v30, v25;
	s28 =	spop (v2sf)  }
0xd0: {  	s29 =	spop (v2sf)  }
0xd1: {  	v30 =	vadd.f32 v32, v31;
	v34 =	vadd.f32 v29, v20;
	(xrf0) =	vmax.scan.msk.f32 $0xffff, v33;
	s23 =	ssub.f32 s29, s28;
	_ =	sdelay $0x1  }
0xd2: {  	v30 =	vmul.f32 v30, v25;
	(xrf0) =	vmax.scan.msk.f32 $0xffff, v34;
	v29 =	vmov s23  }
0xd3: {  	v29 =	vmul.f32 $1.442695020e+00, v29;
	_ =	sdelay $0x1  }
0xd4: {  	v35 =	vadd.f32 v30, v20;
	v29 =	vbroadcast v29, $0x0  }
0xd5: {  	v30, _, _ =	vpop (xrf0)  }
0xd6: {  	(xrf0) =	vmax.scan.msk.f32 $0xffff, v35;
	(erf) = vpow2.f32 v29;
	v29 =	vbroadcast v30, $0xF  }
0xd7: {  	s30 =	sadd.s32 $0x0, s9;
	v31, _, _ =	vpop (xrf0)  }
0xd8: {  	s23 =	sshll.u32 s30, $0x6;
	vm1 =	veq.f32 v33, v29;
	v29 =	vbroadcast v31, $0xF  }
0xd9: {  	s31 =	sadd.s32 $0x1C0, s23  }
0xda: {  	v27 =	vbroadcast v27, $0xF;
	s28 =	sadd.s32 $0x140, s23;
	v59 =	vadd.s32 s31, v17;
	v58 =	vmctz.xlane vm1  }
0xdb: {  	(v2sf) =	vpush v30, $0xF;
	v45 =	vadd.s32 s28, v17;
	vm1 =	veq.f32 v34, v29  }
0xdc: {  	(v2sf) =	vpush v31, $0xF;
	vm4 =	veq.s32 v58, v0;
	v30 =	vmctz.xlane vm1;
	v29, _, _ =	vpop (xrf0)  }
0xdd: {  	v62 =	vadd.s32 s31, v18;
	v36 =	vsel vm4, $0xFF61B1E6, v33;
	v31 =	vbroadcast v29, $0xF  }
0xde: {  	s26 =	sadd.s32 $0x100, s23;
	(v2sf) =	vpush v29, $0xF;
	vm1 =	veq.s32 v30, v0;
	(xrf0) =	vmax.scan.msk.f32 $0xffff, v36;
	v29 =	vadd.s32 s31, v16  }
0xdf: {  	v40 =	vadd.s32 s26, v16;
	v57 =	vld.idx.msk [tilespmem:v59+s5+$0x0], $0xffff;
	vm2 =	veq.f32 v35, v31;
	v31 =	vsel vm1, $0xFF61B1E6, v34  }
0xe0: {  	v41 =	vadd.s32 s26, v17;
	v42 =	vadd.s32 s26, v18;
	v43 =	vadd.s32 s26, v19;
	v45 =	vld.idx.msk [tilespmem:v45+s5+$0x0], $0xffff;
	(xrf0) =	vmax.scan.msk.f32 $0xffff, v31  }
0xe1: {  	s23 =	sadd.s32 $0x180, s23;
	v63 =	vadd.s32 s31, v19;
	v44 =	vadd.s32 s28, v16;
	v46 =	vadd.s32 s28, v18  }
0xe2: {  	v47 =	vadd.s32 s28, v19;
	v48 =	vadd.s32 s23, v16;
	v60 =	vmctz.xlane vm2  }
0xe3: {  	v50 =	vadd.s32 s23, v17;
	v52 =	vadd.s32 s23, v18;
	v53 =	vadd.s32 s23, v19;
	v30 =	vpop (erf);
	v29 =	vld.idx.msk [tilespmem:v29+s5+$0x0], $0xffff  }
0xe4: {  	v58 =	vld.idx.msk [tilespmem:v62+s5+$0x0], $0xffff;
	vm5 =	vge.f32 v57, v24;
	vm7 =	vge.f32 v57, v21;
	v61 =	vadd.f32 $1.000000000e+00, v30;
	v56, _, _ =	vpop (xrf0)  }
0xe5: {  	vm8 =	vge.f32 v45, v23;
	v54 =	vsel vm7, $0x3E99999A, v11;
	v59 =	vbroadcast v56, $0xF  }
0xe6: {  	v38 =	vld.idx.msk [tilespmem:v63+s5+$0x0], $0xffff;
	(erf) = vrcp.f32 v61;
	vm3 =	veq.s32 v60, v0;
	(v2sf) =	vpush v56, $0xF;
	v60, _, _ =	vpop (xrf0)  }
0xe7: {  	v32 =	vsel vm3, $0xFF61B1E6, v35;
	vm2 =	veq.f32 v36, v59;
	(v2sf) =	vpush v60, $0xF  }
0xe8: {  	v61 =	vbroadcast v60, $0xF;
	v36 =	vmctz.xlane vm2;
	vm6 =	vge.f32 v29, v21  }
0xe9: {  	vm2 =	vge.f32 v29, v24;
	v62 =	vsel vm6, $0x3E99999A, v11;
	vm6 =	vge.f32 v58, v21  }
0xea: {  	vm7 =	vge.f32 v29, v22;
	v55 =	vsel vm6, $0x3E99999A, v11;
	vm6 =	vge.f32 v57, v22  }
0xeb: {  	v49 =	vsel vm7, $0x3F000000, v62;
	vm7 =	vge.f32 v38, v21;
	v54 =	vsel vm6, $0x3F000000, v54  }
0xec: {  	vm6 =	vge.f32 v29, v23;
	v29 =	vsel vm7, $0x3E99999A, v11;
	vm7 =	vge.f32 v58, v22  }
0xed: {  	v49 =	vsel vm6, $0x3F333333, v49;
	vm6 =	vge.f32 v38, v22;
	v55 =	vsel vm7, $0x3F000000, v55  }
0xee: {  	v40 =	vld.idx.msk [tilespmem:v40+s5+$0x0], $0xffff;
	vm7 =	vge.f32 v57, v23;
	v29 =	vsel vm6, $0x3F000000, v29;
	vm6 =	vge.f32 v58, v23  }
0xef: {  	v41 =	vld.idx.msk [tilespmem:v41+s5+$0x0], $0xffff;
	v51 =	vsel vm7, $0x3F333333, v54;
	vm7 =	vge.f32 v38, v23;
	v56 =	vsel vm2, $0x3F666667, v49  }
0xf0: {  	v42 =	vld.idx.msk [tilespmem:v42+s5+$0x0], $0xffff;
	vm2 =	veq.f32 v31, v61;
	v63 =	vsel vm6, $0x3F333333, v55;
	vm6 =	vge.f32 v58, v24  }
0xf1: {  	v43 =	vld.idx.msk [tilespmem:v43+s5+$0x0], $0xffff;
	v29 =	vsel vm7, $0x3F333333, v29;
	vm7 =	vge.f32 v38, v24;
	v57 =	vsel vm5, $0x3F666667, v51  }
0xf2: {  	v46 =	vld.idx.msk [tilespmem:v46+s5+$0x0], $0xffff;
	v59 =	vmul.f32 v56, v12;
	vm5 =	veq.f32 v26, v27;
	v58 =	vsel vm6, $0x3F666667, v63  }
0xf3: {  	v38 =	vld.idx.msk [tilespmem:v44+s5+$0x0], $0xffff;
	v44 =	vmul.f32 v57, v13;
	v29 =	vsel vm7, $0x3F666667, v29;
	v37 =	vmctz.xlane vm5  }
0xf4: {  	v39 =	vld.idx.msk [tilespmem:v48+s5+$0x0], $0xffff;
	vm5 =	vge.f32 v40, v21;
	v26 =	vmul.f32 v58, v14;
	v27 =	vmul.f32 v29, v15  }
0xf5: {  	v31 =	vld.idx.msk [tilespmem:v47+s5+$0x0], $0xffff;
	vm6 =	vge.f32 v41, v21;
	vm7 =	vge.f32 v42, v21;
	v29 =	vsel vm5, $0x3E99999A, v11  }
0xf6: {  	v47 =	vld.idx.msk [tilespmem:v52+s5+$0x0], $0xffff;
	vm5 =	vge.f32 v43, v21;
	v26 =	vadd.f32 v26, v59;
	v27 =	vadd.f32 v27, v44  }
0xf7: {  	v49 =	vld.idx.msk [tilespmem:v53+s5+$0x0], $0xffff;
	v48 =	vsel vm6, $0x3E99999A, v11;
	v60 =	vsel vm5, $0x3E99999A, v11;
	vm5 =	vge.f32 v46, v21  }
0xf8: {  	v44 =	vld.idx.msk [tilespmem:v50+s5+$0x0], $0xffff;
	v63 =	vsel vm5, $0x3E99999A, v11;
	vm6 =	vge.f32 v38, v21;
	v26 =	vadd.f32 v27, v26  }
0xf9: {  	v27 =	vsel vm7, $0x3E99999A, v11;
	vm7 =	vge.f32 v45, v21;
	v61 =	vsel vm6, $0x3E99999A, v11  }
0xfa: {  	vm6 =	vge.f32 v31, v21;
	v62 =	vsel vm7, $0x3E99999A, v11;
	vm7 =	vge.f32 v39, v21  }
0xfb: {  	v54 =	vsel vm6, $0x3E99999A, v11;
	vm6 =	vge.f32 v47, v21;
	v26 =	vmul.f32 v26, v25  }
0xfc: {  	v55 =	vsel vm7, $0x3E99999A, v11;
	vm7 =	vge.f32 v49, v21;
	v57 =	vsel vm6, $0x3E99999A, v11  }
0xfd: {  	vm6 =	vge.f32 v41, v22;
	vm5 =	vge.f32 v44, v21;
	v58 =	vsel vm7, $0x3E99999A, v11  }
0xfe: {  	vm7 =	vge.f32 v42, v22;
	v48 =	vsel vm6, $0x3F000000, v48;
	v26 =	vadd.f32 v26, v20  }
0xff: {  	(xrf0) =	vmax.scan.msk.f32 $0xffff, v32;
	vm6 =	vge.f32 v38, v22;
	v56 =	vsel vm5, $0x3E99999A, v11;
	vm5 =	vge.f32 v40, v22  }
0x100: {  	v27 =	vsel vm7, $0x3F000000, v27;
	vm7 =	vge.f32 v45, v22;
	v51 =	vsel vm6, $0x3F000000, v61;
	(xrf0) =	vmax.scan.msk.f32 $0xffff, v26  }
0x101: {  	vm6 =	vge.f32 v31, v22;
	v29 =	vsel vm5, $0x3F000000, v29;
	vm5 =	vge.f32 v43, v22  }
0x102: {  	v52 =	vsel vm7, $0x3F000000, v62;
	vm7 =	vge.f32 v39, v22;
	v54 =	vsel vm6, $0x3F000000, v54  }
0x103: {  	vm6 =	vge.f32 v47, v22;
	v50 =	vsel vm5, $0x3F000000, v60;
	vm5 =	vge.f32 v46, v22  }
0x104: {  	v55 =	vsel vm7, $0x3F000000, v55;
	vm7 =	vge.f32 v49, v22;
	v57 =	vsel vm6, $0x3F000000, v57  }
0x105: {  	v59, _, _ =	vpop (xrf0);
	v52 =	vsel vm8, $0x3F333333, v52;
	v53 =	vsel vm5, $0x3F000000, v63;
	vm5 =	vge.f32 v44, v22  }
0x106: {  	v58 =	vsel vm7, $0x3F000000, v58;
	vm7 =	vge.f32 v41, v23;
	v56 =	vsel vm5, $0x3F000000, v56;
	v60, _, _ =	vpop (xrf0)  }
0x107: {  	vm5 =	vge.f32 v40, v23;
	v48 =	vsel vm7, $0x3F333333, v48;
	v61 =	vbroadcast v60, $0xF  }
0x108: {  	vm7 =	vge.f32 v38, v23;
	v29 =	vsel vm5, $0x3F333333, v29;
	vm5 =	vge.f32 v43, v23  }
0x109: {  	v51 =	vsel vm7, $0x3F333333, v51;
	vm7 =	vge.f32 v31, v23;
	vm6 =	veq.f32 v26, v61  }
0x10a: {  	v50 =	vsel vm5, $0x3F333333, v50;
	vm5 =	vge.f32 v46, v23;
	v61 =	vmctz.xlane vm6  }
0x10b: {  	v54 =	vsel vm7, $0x3F333333, v54;
	vm7 =	vge.f32 v44, v23;
	vm6 =	vge.f32 v42, v23  }
0x10c: {  	v53 =	vsel vm5, $0x3F333333, v53;
	v62 =	vsel vm6, $0x3F333333, v27;
	vm6 =	veq.s32 v61, v0  }
0x10d: {  	vm5 =	vge.f32 v39, v23;
	v56 =	vsel vm7, $0x3F333333, v56;
	v27 =	vsel vm6, $0xFF61B1E6, v26  }
0x10e: {  	vm7 =	vge.f32 v40, v24;
	v55 =	vsel vm5, $0x3F333333, v55;
	vm5 =	vge.f32 v47, v23;
	(xrf0) =	vmax.scan.msk.f32 $0xffff, v27  }
0x10f: {  	v40 =	vsel vm5, $0x3F333333, v57;
	vm5 =	vge.f32 v49, v23;
	(v2sf) =	vpush v60, $0xF  }
0x110: {  	v57 =	vsel vm5, $0x3F333333, v58;
	vm5 =	vge.f32 v41, v24;
	v41 =	vsel vm7, $0x3F666667, v29  }
0x111: {  	s29 =	spop (v2sf);
	vm7 =	vge.f32 v42, v24;
	v42 =	vsel vm5, $0x3F666667, v48;
	vm5 =	vge.f32 v43, v24  }
0x112: {  	s30 =	spop (v2sf);
	v41 =	vmul.f32 v41, v12;
	v58 =	vsel vm5, $0x3F666667, v50;
	vm5 =	vge.f32 v45, v24  }
0x113: {  	s23 =	spop (v2sf);
	v42 =	vmul.f32 v42, v13;
	v43 =	vsel vm7, $0x3F666667, v62;
	vm7 =	vge.f32 v38, v24  }
0x114: {  	s31 =	spop (v2sf);
	v61 =	vsel vm5, $0x3F666667, v52;
	vm5 =	vge.f32 v31, v24;
	v38 =	vmul.f32 v58, v15;
	v29, _, _ =	vpop (xrf0)  }
0x115: {  	s24 =	ssub.f32 s31, s29;
	v60 =	vsel vm7, $0x3F666667, v51;
	vm7 =	vge.f32 v46, v24;
	(v2sf) =	vpush v29, $0xF  }
0x116: {  	v62 =	vsel vm5, $0x3F666667, v54;
	vm5 =	vge.f32 v44, v24;
	v43 =	vmul.f32 v43, v14  }
0x117: {  	v54 =	vmov s24;
	v31 =	vsel vm7, $0x3F666667, v53;
	vm7 =	vge.f32 v39, v24  }
0x118: {  	v52 =	vsel vm5, $0x3F666667, v56;
	vm5 =	vge.f32 v49, v24;
	v45 =	vmul.f32 v60, v12  }
0x119: {  	v38 =	vadd.f32 v38, v42;
	v39 =	vmul.f32 v62, v15;
	(v2sf) =	vpush v59, $0xF  }
0x11a: {  	v63 =	vsel vm7, $0x3F666667, v55;
	v55 =	vmul.f32 v61, v13;
	v31 =	vmul.f32 v31, v14  }
0x11b: {  	vm7 =	vge.f32 v47, v24;
	v53 =	vsel vm5, $0x3F666667, v57;
	v41 =	vadd.f32 v43, v41  }
0x11c: {  	v57 =	vmul.f32 v52, v13;
	v31 =	vadd.f32 v31, v45;
	v39 =	vadd.f32 v39, v55  }
0x11d: {  	v40 =	vsel vm7, $0x3F666667, v40;
	v56 =	vmul.f32 v63, v12;
	v38 =	vadd.f32 v38, v41  }
0x11e: {  	s28 =	spop (v2sf);
	v58 =	vmul.f32 v53, v15;
	v40 =	vmul.f32 v40, v14;
	v31 =	vadd.f32 v39, v31  }
0x11f: {  	s24 =	ssub.f32 s28, s30;
	v61 =	vmul.f32 $1.442695020e+00, v54;
	v38 =	vmul.f32 v38, v25  }
0x120: {  	v62 =	vpop (erf);
	v63 =	vadd.f32 v58, v57;
	v40 =	vadd.f32 v40, v56;
	v31 =	vmul.f32 v31, v25  }
0x121: {  	v49 =	vmov s24;
	v48 =	vmul.f32 v62, v30;
	v30 =	vadd.f32 v38, v20  }
0x122: {  	v42 =	vbroadcast v61, $0x0;
	v50 =	vadd.f32 v63, v40;
	v31 =	vadd.f32 v31, v20  }
0x123: {  	v52 =	vbroadcast v59, $0xF;
	v51 =	vmul.f32 $1.442695020e+00, v49;
	s29 =	spop (v2sf);
	(xrf0) =	vmax.scan.msk.f32 $0xffff, v30  }
0x124: {  	(erf) = vpow2.f32 v42;
	v38 =	vmul.f32 v50, v25;
	(xrf0) =	vmax.scan.msk.f32 $0xffff, v31;
	s30 =	spop (v2sf)  }
0x125: {  	vm4 =	vmmov vm4;
	vm11 =	vmmov vm1;
	v53 =	vbroadcast v51, $0x0;
	s24 =	ssub.f32 s30, s29  }
0x126: {  	vm9 =	veq.s32 v36, v0;
	vm5 =	veq.f32 v32, v52;
	v32 =	vadd.f32 v38, v20  }
0x127: {  	v60 =	vmctz.xlane vm2;
	(erf) = vpow2.f32 v53;
	v54 =	vmov s24  }
0x128: {  	vm2 =	veq.s32 v37, v0;
	vm7 =	vmmov vm3;
	(xrf0) =	vmax.scan.msk.f32 $0xffff, v32;
	s31 =	spop (v2sf);
	v55 =	vmul.f32 $1.442695020e+00, v54  }
0x129: {  	s25 =	simm.s32 $0x12020;
	v57 =	vmctz.xlane vm5;
	vm5 =	veq.s32 v60, v0;
	v56 =	vnsel vm2, $0x0, v48;
	v58, _, _ =	vpop (xrf0);
	s23 =	ssub.f32 s31, s23  }
0x12a: {  	[tilespmem:s25+$0x10] =	vst v28;
	vm13 =	vmmov vm5;
	v39 =	vsel vm0, v62, v56;
	v28, _, _ =	vpop (xrf0);
	v38 =	vbroadcast v55, $0x0  }
0x12b: {  	v59 =	vbroadcast v58, $0xF;
	v61 =	vbroadcast v28, $0xF;
	v60 =	vmov s23  }
0x12c: {  	(v2sf) =	vpush v58, $0xF;
	(erf) = vpow2.f32 v38;
	v38 =	vmul.f32 $1.442695020e+00, v60  }
0x12d: {  	[tilespmem:s25+$0xFFFFFFE0] =	vst v33;
	vm12 =	veq.s32 v57, v0;
	v36 =	vpop (erf);
	vm5 =	veq.f32 v30, v59;
	(v2sf) =	vpush v28, $0xF  }
0x12e: {  	[tilespmem:s25+$0xFFFFFFF0] =	vst v34;
	v62 =	vmctz.xlane vm5;
	v63, _, _ =	vpop (xrf0);
	vm5 =	veq.f32 v31, v61;
	v38 =	vbroadcast v38, $0x0  }
0x12f: {  	[tilespmem:s25+$0x0] =	vst v35;
	v28 =	vadd.f32 $1.000000000e+00, v36;
	v33 =	vbroadcast v63, $0xF;
	v34 =	vmctz.xlane vm5;
	s24 =	simm.s32 $0x10020  }
0x130: {  	s26 =	simm.s32 $0x4;
	v37 =	vpop (erf);
	vm5 =	veq.s32 v62, v0;
	(v2sf) =	vpush v63, $0xF;
	[tilespmem:s24+$0x10] =	vst v39;
	s23 =	simm.s32 $0x10020;
	(erf) = vpow2.f32 v38  }
.LBB2_4:
0x131: {  	v35 =	vimm.s32 $0x0;
	v53 =	vimm.s32 $0x0  }
0x132: {  	v54 =	vimm.s32 $0x0;
	v55 =	vimm.s32 $0x0;
	v56 =	vimm.s32 $0x0  }
0x133: {  	v57 =	vimm.s32 $0x0;
	v38 =	vsel vm5, $0xFF61B1E6, v30;
	v58 =	vadd.f32 $1.000000000e+00, v37  }
0x134: {  	s28 =	sadd.s32 s26, s9;
	v59 =	vimm.s32 $0x0;
	v63 =	vbroadcast v29, $0xF;
	v35 =	vsel vm4, $0xFFFFFFFF, v35  }
0x135: {  	vm8 =	veq.f32 v32, v33;
	s28 =	sshll.u32 s28, $0x6;
	vm0 =	veq.s32 v34, v0;
	(xrf0) =	vmax.scan.msk.f32 $0xffff, v38;
	(erf) = vrcp.f32 v28  }
0x136: {  	[tilespmem:$0x1FFA0] =	vst v35;
	v35 =	vsel vm7, $0xFFFFFFFF, v53;
	v34 =	vsel vm0, $0xFFFFFFFF, v59;
	v60 =	vmctz.xlane vm8;
	s29 =	sadd.s32 $0x100, s28  }
0x137: {  	s31 =	sadd.s32 $0x1C0, s28;
	v39 =	vsel vm0, $0xFF61B1E6, v31;
	[tilespmem:$0x1FFC0] =	vst v35;
	v35 =	vsel vm12, $0xFFFFFFFF, v54;
	v40 =	vadd.s32 s29, v16  }
0x138: {  	v28 =	vadd.s32 s31, v16;
	v42 =	vadd.s32 s29, v17;
	v43 =	vadd.s32 s29, v18  }
0x139: {  	s30 =	sadd.s32 $0x140, s28;
	(xrf0) =	vmax.scan.msk.f32 $0xffff, v39;
	v62 =	vadd.s32 s31, v17;
	v44 =	vadd.s32 s29, v19;
	v45 =	vadd.s32 s31, v18  }
0x13a: {  	s28 =	sadd.s32 $0x180, s28;
	v46 =	vadd.s32 s30, v16;
	v47 =	vadd.s32 s30, v17;
	v48 =	vadd.s32 s31, v19  }
0x13b: {  	v49 =	vadd.s32 s30, v18;
	v50 =	vadd.s32 s30, v19;
	v51 =	vadd.s32 s28, v16  }
0x13c: {  	v52 =	vadd.s32 s28, v17;
	v53 =	vadd.s32 s28, v18;
	[tilespmem:$0x1FF90] =	vst v35;
	v35 =	vsel vm13, $0xFFFFFFFF, v55;
	v41 =	vpop (erf)  }
0x13d: {  	v54 =	vadd.s32 s28, v19;
	vm0 =	veq.s32 v60, v0;
	[tilespmem:$0x1FF80] =	vst v35;
	v35 =	vsel vm5, $0xFFFFFFFF, v56;
	v33, _, _ =	vpop (xrf0);
	v55 =	vld.idx.msk [tilespmem:v28+s5+$0x0], $0xffff  }
0x13e: {  	[tilespmem:$0x1FFF0] =	vst v35;
	v35 =	vsel vm11, $0xFFFFFFFF, v57;
	(erf) = vrcp.f32 v58;
	v28 =	vpop (erf);
	v59 =	vld.idx.msk [tilespmem:v45+s5+$0x0], $0xffff;
	v45 =	vbroadcast v33, $0xF  }
0x13f: {  	[tilespmem:$0x1FFB0] =	vst v35;
	v35 =	vsel vm0, $0xFF61B1E6, v32;
	v61 =	vadd.f32 $1.000000000e+00, v41;
	v56 =	vld.idx.msk [tilespmem:v62+s5+$0x0], $0xffff;
	v62 =	vimm.s32 $0x0;
	v57, _, _ =	vpop (xrf0)  }
0x140: {  	v60 =	vld.idx.msk [tilespmem:v48+s5+$0x0], $0xffff;
	v58 =	vadd.f32 $1.000000000e+00, v28;
	vm10 =	veq.f32 v38, v45;
	v45 =	vbroadcast v57, $0xF  }
0x141: {  	(erf) = vrcp.f32 v61;
	v61 =	vsel vm0, $0xFFFFFFFF, v62;
	v38 =	vmctz.xlane vm10  }
0x142: {  	v29 =	vld.idx.msk [tilespmem:v40+s5+$0x0], $0xffff;
	vm10 =	veq.f32 v27, v63;
	s29 =	spop (v2sf);
	(v2sf) =	vpush v33, $0xF;
	v33 =	vpop (erf);
	vm11 =	veq.f32 v39, v45  }
0x143: {  	v43 =	vld.idx.msk [tilespmem:v43+s5+$0x0], $0xffff;
	v27 =	vmctz.xlane vm10;
	(v2sf) =	vpush v57, $0xF;
	v36 =	vmul.f32 v33, v36  }
0x144: {  	[tilespmem:$0x1FFD0] =	vst v34;
	v44 =	vld.idx.msk [tilespmem:v44+s5+$0x0], $0xffff;
	v40 =	vmctz.xlane vm11;
	vm10 =	vge.f32 v56, v24;
	vm11 =	vge.f32 v59, v24  }
0x145: {  	s25 =	sadd.s32 $0x40, s25;
	v48 =	vld.idx.msk [tilespmem:v50+s5+$0x0], $0xffff;
	vm15 =	vge.f32 v55, v23;
	vm12 =	vge.f32 v60, v24;
	vm14 =	vge.f32 v59, v23  }
0x146: {  	[tilespmem:s25+$0x10] =	vst v26;
	vm1 =	vge.f32 v56, v22;
	vm8 =	vge.f32 v60, v23;
	vm2 =	vge.f32 v55, v21  }
0x147: {  	v45 =	vld.idx.msk [tilespmem:v46+s5+$0x0], $0xffff;
	vm3 =	vge.f32 v59, v22;
	vm4 =	vge.f32 v60, v22;
	vm5 =	vge.f32 v56, v21  }
0x148: {  	v46 =	vld.idx.msk [tilespmem:v47+s5+$0x0], $0xffff;
	vm7 =	vge.f32 v59, v21;
	vm0 =	vge.f32 v60, v21;
	vm13 =	veq.s32 v27, v0  }
0x149: {  	[tilespmem:$0x1FFE0] =	vst v61;
	v47 =	vld.idx.msk [tilespmem:v49+s5+$0x0], $0xffff;
	v26 =	vsel vm2, $0x3E99999A, v11;
	v61 =	vsel vm7, $0x3E99999A, v11;
	v62 =	vsel vm0, $0x3E99999A, v11  }
0x14a: {  	v49 =	vld.idx.msk [tilespmem:v51+s5+$0x0], $0xffff;
	vm0 =	vge.f32 v29, v21;
	vm2 =	vge.f32 v43, v21;
	vm7 =	vge.f32 v48, v21  }
0x14b: {  	[tilespmem:s25+$0xFFFFFFF0] =	vst v31;
	v31 =	vld.idx.msk [tilespmem:v53+s5+$0x0], $0xffff;
	v36 =	vnsel vm9, $0x0, v36;
	vm9 =	vge.f32 v55, v24;
	v50 =	vsel vm3, $0x3F000000, v61  }
0x14c: {  	v42 =	vld.idx.msk [tilespmem:v42+s5+$0x0], $0xffff;
	[tilespmem:s25+$0xFFFFFFE0] =	vst v30;
	v51 =	vsel vm4, $0x3F000000, v62;
	vm3 =	vge.f32 v44, v21;
	v34 =	vpop (erf);
	(erf) = vrcp.f32 v58  }
0x14d: {  	v30 =	vld.idx.msk [tilespmem:v52+s5+$0x0], $0xffff;
	[tilespmem:s25+$0x0] =	vst v32;
	v50 =	vsel vm14, $0x3F333333, v50;
	v51 =	vsel vm8, $0x3F333333, v51;
	v52 =	vsel vm3, $0x3E99999A, v11  }
0x14e: {  	v32 =	vld.idx.msk [tilespmem:v54+s5+$0x0], $0xffff;
	vm3 =	vge.f32 v44, v22;
	v37 =	vmul.f32 v34, v37;
	v50 =	vsel vm11, $0x3F666667, v50  }
0x14f: {  	v51 =	vsel vm12, $0x3F666667, v51;
	vm4 =	vge.f32 v45, v21;
	vm8 =	vge.f32 v49, v21  }
0x150: {  	v52 =	vsel vm3, $0x3F000000, v52;
	vm11 =	vge.f32 v31, v23;
	v50 =	vmul.f32 v50, v14  }
0x151: {  	v51 =	vmul.f32 v51, v15;
	v53 =	vsel vm4, $0x3E99999A, v11;
	vm4 =	vge.f32 v45, v22;
	v57 =	vpop (erf)  }
0x152: {  	v53 =	vsel vm4, $0x3F000000, v53;
	vm4 =	vge.f32 v44, v23;
	v58 =	vmul.f32 v57, v41  }
0x153: {  	vm12 =	vge.f32 v32, v23;
	v52 =	vsel vm4, $0x3F333333, v52;
	vm4 =	vge.f32 v45, v24  }
0x154: {  	v27 =	vnsel vm13, $0x0, v58;
	vm13 =	vge.f32 v56, v23;
	v56 =	vsel vm7, $0x3E99999A, v11  }
0x155: {  	vm7 =	vge.f32 v48, v22;
	v27 =	vsel vm6, v57, v27;
	vm6 =	vge.f32 v55, v22  }
0x156: {  	s24 =	sadd.s32 $0x40, s24;
	v57 =	vsel vm8, $0x3E99999A, v11;
	vm8 =	vge.f32 v49, v22;
	v56 =	vsel vm7, $0x3F000000, v56  }
0x157: {  	vm7 =	vge.f32 v47, v23;
	[tilespmem:s24+$0x10] =	vst v27;
	v27 =	vsel vm5, $0x3E99999A, v11;
	v26 =	vsel vm6, $0x3F000000, v26  }
0x158: {  	vm5 =	vge.f32 v46, v21;
	vm6 =	vge.f32 v47, v21;
	v27 =	vsel vm1, $0x3F000000, v27  }
0x159: {  	v57 =	vsel vm8, $0x3F000000, v57;
	v26 =	vsel vm15, $0x3F333333, v26;
	v27 =	vsel vm13, $0x3F333333, v27  }
0x15a: {  	vm8 =	vge.f32 v48, v23;
	v26 =	vsel vm9, $0x3F666667, v26;
	v27 =	vsel vm10, $0x3F666667, v27  }
0x15b: {  	vm1 =	vge.f32 v42, v21;
	v26 =	vmul.f32 v26, v12;
	v27 =	vmul.f32 v27, v13  }
0x15c: {  	v54 =	vsel vm5, $0x3E99999A, v11;
	v55 =	vsel vm6, $0x3E99999A, v11;
	vm5 =	vge.f32 v46, v22  }
0x15d: {  	vm6 =	vge.f32 v47, v22;
	v26 =	vadd.f32 v50, v26;
	v27 =	vadd.f32 v51, v27  }
0x15e: {  	v56 =	vsel vm8, $0x3F333333, v56;
	vm8 =	vge.f32 v48, v24;
	vm9 =	vge.f32 v30, v21  }
0x15f: {  	(xrf0) =	vmax.scan.msk.f32 $0xffff, v35;
	v39 =	vpop (erf);
	v54 =	vsel vm5, $0x3F000000, v54;
	v55 =	vsel vm6, $0x3F000000, v55;
	v26 =	vadd.f32 v27, v26  }
0x160: {  	vm5 =	vge.f32 v45, v23;
	v56 =	vsel vm8, $0x3F666667, v56;
	v28 =	vmul.f32 v39, v28  }
0x161: {  	vm10 =	vge.f32 v32, v21;
	v58 =	vsel vm9, $0x3E99999A, v11;
	v26 =	vmul.f32 v26, v25  }
0x162: {  	vm9 =	vge.f32 v30, v22;
	v53 =	vsel vm5, $0x3F333333, v53;
	v55 =	vsel vm7, $0x3F333333, v55  }
0x163: {  	vm5 =	vge.f32 v46, v24;
	vm7 =	vge.f32 v47, v24;
	v26 =	vadd.f32 v26, v20  }
0x164: {  	v60 =	vsel vm10, $0x3E99999A, v11;
	vm10 =	vge.f32 v31, v22;
	v58 =	vsel vm9, $0x3F000000, v58  }
0x165: {  	v41, _, _ =	vpop (xrf0);
	vm9 =	vge.f32 v49, v23;
	v53 =	vsel vm4, $0x3F666667, v53;
	v55 =	vsel vm7, $0x3F666667, v55;
	(xrf0) =	vmax.scan.msk.f32 $0xffff, v26  }
0x166: {  	v50 =	vsel vm1, $0x3E99999A, v11;
	vm1 =	vge.f32 v42, v22;
	v57 =	vsel vm9, $0x3F333333, v57  }
0x167: {  	vm9 =	vge.f32 v49, v24;
	v51 =	vsel vm2, $0x3E99999A, v11;
	vm2 =	vge.f32 v43, v22  }
0x168: {  	v50 =	vsel vm1, $0x3F000000, v50;
	vm1 =	vge.f32 v29, v23;
	v57 =	vsel vm9, $0x3F666667, v57  }
0x169: {  	v51 =	vsel vm2, $0x3F000000, v51;
	vm2 =	vge.f32 v43, v23;
	v27 =	vsel vm0, $0x3E99999A, v11  }
0x16a: {  	vm0 =	vge.f32 v31, v21;
	v51 =	vsel vm2, $0x3F333333, v51;
	vm2 =	vge.f32 v43, v24  }
0x16b: {  	v43 =	vmul.f32 v53, v12;
	v59 =	vsel vm0, $0x3E99999A, v11;
	vm0 =	vge.f32 v29, v22;
	v62, _, _ =	vpop (xrf0)  }
0x16c: {  	v63 =	vsel vm2, $0x3F666667, v51;
	v61 =	vsel vm0, $0x3F000000, v27;
	v27 =	vbroadcast v62, $0xF  }
0x16d: {  	s31 =	spop (v2sf);
	vm0 =	vge.f32 v32, v22;
	v59 =	vsel vm10, $0x3F000000, v59;
	vm10 =	vge.f32 v30, v23  }
0x16e: {  	s28 =	spop (v2sf);
	v60 =	vsel vm0, $0x3F000000, v60;
	vm0 =	vge.f32 v42, v23;
	vm3 =	veq.f32 v26, v27  }
0x16f: {  	s30 =	spop (v2sf);
	v61 =	vsel vm1, $0x3F333333, v61;
	v58 =	vsel vm10, $0x3F333333, v58;
	v27 =	vmctz.xlane vm3  }
0x170: {  	s30 =	ssub.f32 s30, s29;
	v59 =	vsel vm11, $0x3F333333, v59;
	vm1 =	vge.f32 v42, v24;
	vm10 =	vge.f32 v30, v24  }
0x171: {  	vm11 =	vge.f32 v32, v24;
	v32 =	vmul.f32 v63, v14;
	vm6 =	veq.s32 v27, v0  }
0x172: {  	v63 =	vmov s30;
	v50 =	vsel vm0, $0x3F333333, v50;
	v27 =	vsel vm6, $0xFF61B1E6, v26  }
0x173: {  	v60 =	vsel vm12, $0x3F333333, v60;
	vm0 =	vge.f32 v29, v24;
	v58 =	vsel vm10, $0x3F666667, v58;
	(xrf0) =	vmax.scan.msk.f32 $0xffff, v27  }
0x174: {  	v30 =	vsel vm0, $0x3F666667, v61;
	vm0 =	vge.f32 v31, v24;
	v31 =	vsel vm1, $0x3F666667, v50  }
0x175: {  	v30 =	vmul.f32 v30, v12;
	v61 =	vsel vm0, $0x3F666667, v59;
	vm3 =	vge.f32 v46, v23  }
0x176: {  	v31 =	vmul.f32 v31, v13;
	v54 =	vsel vm3, $0x3F333333, v54;
	vm3 =	vge.f32 v44, v24  }
0x177: {  	v30 =	vadd.f32 v32, v30;
	v52 =	vsel vm3, $0x3F666667, v52;
	v54 =	vsel vm5, $0x3F666667, v54  }
0x178: {  	s29 =	spop (v2sf);
	(v2sf) =	vpush v62, $0xF;
	v42 =	vmul.f32 v52, v15;
	v53 =	vmul.f32 v54, v13  }
0x179: {  	v62 =	vsel vm11, $0x3F666667, v60;
	v54 =	vmul.f32 v55, v14;
	v55 =	vmul.f32 v56, v15;
	v29, _, _ =	vpop (xrf0)  }
0x17a: {  	v56 =	vmul.f32 v57, v12;
	v31 =	vadd.f32 v42, v31;
	(v2sf) =	vpush v29, $0xF  }
0x17b: {  	s29 =	ssub.f32 s29, s31;
	v50 =	vld [tilespmem:$0x1FF80];
	v57 =	vmul.f32 v58, v13;
	v43 =	vadd.f32 v54, v43;
	(v2sf) =	vpush v41, $0xF  }
0x17c: {  	v51 =	vld [tilespmem:$0x1FF90];
	v58 =	vmul.f32 v61, v14;
	v30 =	vadd.f32 v31, v30;
	v31 =	vadd.f32 v55, v53  }
0x17d: {  	v59 =	vmul.f32 v62, v15;
	v62 =	vmov s29;
	v52 =	vld [tilespmem:$0x1FFA0];
	v41 =	vbroadcast v41, $0xF  }
0x17e: {  	v61 =	vmul.f32 $1.442695020e+00, v63;
	v60 =	vadd.f32 v58, v56;
	v53 =	vld [tilespmem:$0x1FFB0];
	v31 =	vadd.f32 v31, v43  }
0x17f: {  	v32 =	vadd.f32 v59, v57;
	v54 =	vld [tilespmem:$0x1FFC0];
	v30 =	vmul.f32 v30, v25;
	vm0 =	veq.f32 v35, v41  }
0x180: {  	v31 =	vmul.f32 v31, v25;
	v49 =	vmctz.xlane vm0;
	vm0 =	vnez.u8 v50  }
0x181: {  	v30 =	vadd.f32 v30, v20;
	v37 =	vnsel vm0, $0x0, v37;
	vm0 =	vnez.u8 v51  }
0x182: {  	v31 =	vadd.f32 v31, v20;
	v28 =	vnsel vm0, $0x0, v28;
	vm0 =	vnez.u8 v52  }
0x183: {  	v63 =	vbroadcast v61, $0x0;
	(xrf0) =	vmax.scan.msk.f32 $0xffff, v30;
	v33 =	vsel vm0, v33, v36;
	vm0 =	vnez.u8 v53  }
0x184: {  	v32 =	vadd.f32 v32, v60;
	v55 =	vld [tilespmem:$0x1FFD0];
	(xrf0) =	vmax.scan.msk.f32 $0xffff, v31;
	v34 =	vsel vm0, v34, v37;
	vm0 =	vnez.u8 v54  }
0x185: {  	v45 =	vmul.f32 $1.442695020e+00, v62;
	(erf) = vpow2.f32 v63;
	v28 =	vsel vm0, v39, v28  }
0x186: {  	v32 =	vmul.f32 v32, v25;
	[tilespmem:s23+$0x0] =	vst v28;
	v28 =	vld [tilespmem:$0x1FFE0]  }
0x187: {  	v46 =	vbroadcast v45, $0x0  }
0x188: {  	vm9 =	veq.s32 v38, v0;
	v59 =	vld [tilespmem:$0x1FFF0];
	v32 =	vadd.f32 v32, v20;
	s29 =	spop (v2sf)  }
0x189: {  	vm10 =	veq.s32 v40, v0;
	(erf) = vpow2.f32 v46;
	v56, _, _ =	vpop (xrf0);
	vm0 =	vnez.u8 v55;
	s31 =	spop (v2sf)  }
0x18a: {  	vm13 =	vmmov vm10;
	(xrf0) =	vmax.scan.msk.f32 $0xffff, v32;
	vm12 =	veq.s32 v49, v0;
	vm11 =	vmmov vm0;
	v58, _, _ =	vpop (xrf0);
	s29 =	ssub.f32 s31, s29;
	s31 =	spop (v2sf)  }
0x18b: {  	v60 =	vbroadcast v58, $0xF;
	vm0 =	vnez.u8 v28;
	v28 =	vbroadcast v56, $0xF;
	s28 =	ssub.f32 s31, s28  }
0x18c: {  	s26 =	sadd.s32 $0x4, s26;
	vm7 =	vmmov vm0;
	(v2sf) =	vpush v56, $0xF;
	v47 =	vmov s29  }
0x18d: {  	p0 =	slt.u32 s26, $0x1FC;
	vm0 =	vnez.u8 v59;
	v48 =	vmul.f32 $1.442695020e+00, v47;
	v57 =	vmov s28  }
.Ltmp1:
0x18e: {  	v36 =	vpop (erf);
	[tilespmem:s23+$0xFFFFFFE0] =	vst v33;
	vm4 =	vmmov vm0;
	vm0 =	veq.f32 v30, v28;
	v33 =	vmul.f32 $1.442695020e+00, v57;
	(pc) =	sbr.rel @p0 .LBB2_4-.Ltmp1, $4  }
0x18f: {  	(v2sf) =	vpush v58, $0xF;
	v28 =	vadd.f32 $1.000000000e+00, v36;
	v35 =	vbroadcast v48, $0x0  }
0x190: {  	v62, _, _ =	vpop (xrf0);
	v61 =	vmctz.xlane vm0;
	vm0 =	veq.f32 v31, v60;
	v63 =	vbroadcast v33, $0x0  }
0x191: {  	[tilespmem:s23+$0xFFFFFFF0] =	vst v34;
	(v2sf) =	vpush v62, $0xF;
	v34 =	vmctz.xlane vm0;
	(erf) = vpow2.f32 v35  }
0x192: {  	v37 =	vpop (erf);
	s23 =	smov.u32 s24;
	vm5 =	veq.s32 v61, v0;
	v33 =	vbroadcast v62, $0xF;
	(erf) = vpow2.f32 v63  }
0x193: {  	_ = 	snop  }
0x194: {  	vm0 =	veq.f32 v32, v33  }
0x195: {  	v12 =	vmctz.xlane vm0  }
0x196: {  	v13 =	vsel vm5, $0xFF61B1E6, v30;
	vm0 =	veq.s32 v34, v0  }
0x197: {  	(xrf0) =	vmax.scan.msk.f32 $0xffff, v13;
	v14 =	vsel vm0, $0xFF61B1E6, v31;
	vm8 =	veq.s32 v12, v0  }
0x198: {  	(xrf0) =	vmax.scan.msk.f32 $0xffff, v14;
	v12 =	vsel vm8, $0xFF61B1E6, v32  }
0x199: {  	(xrf0) =	vmax.scan.msk.f32 $0xffff, v12;
	_ =	sdelay $0x3  }
0x19a: {  	v15, _, _ =	vpop (xrf0)  }
0x19b: {  	(v2sf) =	vpush v15, $0xF;
	v16, _, _ =	vpop (xrf0)  }
0x19c: {  	(v2sf) =	vpush v16, $0xF;
	v17, _, _ =	vpop (xrf0)  }
0x19d: {  	(v2sf) =	vpush v17, $0xF;
	_ =	sdelay $0x9  }
0x19e: {  	s26 =	spop (v2sf)  }
0x19f: {  	s28 =	spop (v2sf)  }
0x1a0: {  	s29 =	spop (v2sf)  }
0x1a1: {  	s30 =	spop (v2sf)  }
0x1a2: {  	v18 =	vadd.f32 $1.000000000e+00, v37;
	s26 =	ssub.f32 s30, s26;
	s31 =	spop (v2sf)  }
0x1a3: {  	v19 =	vpop (erf);
	(erf) = vrcp.f32 v28;
	s28 =	ssub.f32 s31, s28;
	s31 =	spop (v2sf)  }
0x1a4: {  	v20 =	vadd.f32 $1.000000000e+00, v19;
	(erf) = vrcp.f32 v18;
	v63 =	vpop (erf);
	v21 =	vmov s26;
	s31 =	ssub.f32 s31, s29  }
0x1a5: {  	v22 =	vadd.f32 $1.000000000e+00, v63;
	v34 =	vmul.f32 $1.442695020e+00, v21;
	v35 =	vmov s28  }
0x1a6: {  	(erf) = vrcp.f32 v20;
	v21 =	vmul.f32 $1.442695020e+00, v35;
	v23 =	vmov s31  }
0x1a7: {  	v20 =	vbroadcast v34, $0x0;
	v23 =	vmul.f32 $1.442695020e+00, v23  }
0x1a8: {  	(erf) = vrcp.f32 v22;
	v21 =	vbroadcast v21, $0x0  }
0x1a9: {  	(erf) = vpow2.f32 v20;
	v38 =	vbroadcast v23, $0x0  }
0x1aa: {  	(erf) = vpow2.f32 v21  }
0x1ab: {  	(erf) = vpow2.f32 v38;
	_ =	sdelay $0x2  }
0x1ac: {  	v39 =	vpop (erf)  }
0x1ad: {  	v40 =	vpop (erf)  }
0x1ae: {  	v41 =	vpop (erf)  }
0x1af: {  	v42 =	vpop (erf)  }
0x1b0: {  	v24 =	vpop (erf)  }
0x1b1: {  	v25 =	vadd.f32 $1.000000000e+00, v24;
	v43 =	vpop (erf)  }
0x1b2: {  	v44 =	vadd.f32 $1.000000000e+00, v43;
	v45 =	vpop (erf)  }
0x1b3: {  	v29 =	vbroadcast v29, $0xF;
	(erf) = vrcp.f32 v25;
	v46 =	vadd.f32 $1.000000000e+00, v45  }
0x1b4: {  	v15 =	vbroadcast v15, $0xF;
	(erf) = vrcp.f32 v44  }
0x1b5: {  	vm1 =	veq.f32 v27, v29;
	v16 =	vbroadcast v16, $0xF;
	(erf) = vrcp.f32 v46  }
0x1b6: {  	vm14 =	vmmov vm5;
	v47 =	vmctz.xlane vm1;
	vm2 =	veq.f32 v13, v15  }
0x1b7: {  	v50 =	vmctz.xlane vm2;
	vm15 =	veq.f32 v14, v16;
	v51 =	vbroadcast v17, $0xF  }
0x1b8: {  	s25 =	sadd.s32 $0x40, s25;
	vm0 =	vmmov vm0;
	vm1 =	veq.s32 v47, v0;
	v53 =	vmctz.xlane vm15  }
0x1b9: {  	[tilespmem:s25+$0x10] =	vst v26;
	vm2 =	veq.s32 v50, v0;
	vm10 =	veq.f32 v12, v51;
	v49 =	vmul.f32 v39, v36  }
0x1ba: {  	[tilespmem:s25+$0xFFFFFFE0] =	vst v30;
	vm3 =	veq.s32 v53, v0;
	v55 =	vmctz.xlane vm10;
	v52 =	vmul.f32 v40, v37  }
0x1bb: {  	[tilespmem:s25+$0xFFFFFFF0] =	vst v31;
	vm15 =	vmmov vm3;
	v15 =	vnsel vm9, $0x0, v49;
	v19 =	vmul.f32 v41, v19  }
0x1bc: {  	[tilespmem:s25+$0x0] =	vst v32;
	v57 =	vnsel vm13, $0x0, v52;
	v15 =	vsel vm4, v39, v15;
	v54 =	vmul.f32 v42, v63;
	v56 =	vpop (erf)  }
0x1bd: {  	v16 =	vsel vm11, v40, v57;
	[tilespmem:s23+$0xFFFFFFE0] =	vst v15;
	v48 =	vnsel vm1, $0x0, v19;
	v59 =	vmul.f32 v56, v24;
	v58 =	vpop (erf)  }
0x1be: {  	s24 =	sadd.s32 $0x40, s24;
	[tilespmem:s23+$0xFFFFFFF0] =	vst v16;
	v13 =	vsel vm6, v41, v48;
	v12 =	vnsel vm12, $0x0, v54;
	v62 =	vmul.f32 v58, v43;
	v60 =	vpop (erf)  }
0x1bf: {  	[tilespmem:s24+$0x10] =	vst v13;
	v12 =	vsel vm7, v42, v12;
	v13 =	vnsel vm2, $0x0, v59;
	v61 =	vmul.f32 v60, v45  }
0x1c0: {  	vm1 =	veq.s32 v55, v0;
	[tilespmem:s23+$0x0] =	vst v12;
	v13 =	vsel vm14, v56, v13;
	v12 =	vnsel vm15, $0x0, v62  }
0x1c1: {  	vm13 =	vmmov vm8;
	[tilespmem:s24+$0xFFFFFFE0] =	vst v13;
	v12 =	vsel vm0, v58, v12;
	v15 =	vnsel vm1, $0x0, v61  }
0x1c2: {  	[tilespmem:s24+$0xFFFFFFF0] =	vst v12;
	v63 =	vsel vm13, v60, v15  }
0x1c3: {  	[tilespmem:s24+$0x0] =	vst v63  }
0x1c4: {  	[hbm4b:s17+s5] =	stream.linear.scatter [tilespmem:s20], [sflag:$0x1], $0x2000, $0x38;
	[tilespmem:$0x14310] =	vst v63  }
0x1c5: {  	s22 =	sadd.s32 $0x1, s22;
	_ =	swait.ge [sflag:s19], $0x2000  }
0x1c6: {  	p0 =	sne.s32 s22, s18;
	[sflag:s19] =	ssyncset.done $0x0  }
.Ltmp2:
0x1c7: {  	[sflag:s19] =	ssyncadd.s32 $0xFFFFE000;
	(pc) =	sbr.rel @p0 .LBB2_1-.Ltmp2, $4  }
0x1c8: {  	[hbm4b:s10+s5] =	stream.linear.scatter [tilespmem:s21], [sflag:$0x1], $0x2000, $0x38;
	[tilespmem:$0x14310] =	vst v63  }
0x1c9: {  	_ =	swait.ge [sflag:s19], $0x2000  }
0x1ca: {  	[sflag:s19] =	ssyncset.done $0x0  }
0x1cb: {  	[sflag:s19] =	ssyncadd.s32 $0xFFFFE000  }
0x1cc: {  	_ =	sfence.sel $0x180000  }
0x1cd: {  	[bflag:$0x0] =	sbarrier.arrive $0xFFFF  }
0x1ce: {  	p0 =	sne.s32 s4, $0x0;
	_ =	strace $0x90000047  }
0x1cf: {  	s0 =	sadd.s32 @!p0 $0x100000, s0;
	[bflag:$0x2] =	sbarrier.arrive $0xFFFF  }
0x1d0: {  	[sflag:s0] =	ssyncadd.tile.s32 @!p0 $0x1;
	_ =	shalt  }
.Lfunc_end2:
_tile_overlayer_lowered:
.L_overlay_start_2:
0x1d1: {  	(tag) =	ssettag $0x2  }
0x1d2: {  	s0 =	rddreg [dreg:$0x0];
	s2 =	stileid.u32  }
0x1d3: {  	s1 =	rddreg [dreg:$0x1];
	p0 =	sne.s32 s2, $0x0  }
0x1d4: {  	s3 =	rddreg [dreg:$0x2];
	[bflag:$0x3] =	sbarrier.arrive $0xFFFF;
	s2 =	simm.s32 @!p0 $0x1C01  }
0x1d5: {  	[timem:s3], [sflag:s2] =	dma.local @!p0 [hbm:s0], s1  }
0x1d6: {  	s0 =	simm.s32 @!p0 $0x1  }
0x1d7: {  	_ =	swait.ge @!p0 [sflag:s0], s1  }
0x1d8: {  	s1 =	ssub.s32 @!p0 $0x0, s1;
	[sflag:s0] =	ssyncset.done @!p0 $0x0  }
0x1d9: {  	[sflag:s0] =	ssyncadd.s32 @!p0 s1  }
0x1da: {  	[bflag:$0x3] =	sbarrier.arrive $0xFFFF  }
0x1db: {  	_ =	shalt  }

</sc_bundles>
